<compile_context>
chip_gen: v7x
topology: tpu7x:2x2x1
jax: 0.10.2.dev20260603
libtpu: 0.0.44.dev20260713+nightly
codegen_flags: <defaults>
</compile_context>

<pallas_src>
import jax
import jax.numpy as jnp
from jax import lax
from jax.experimental import pallas as pl
from jax.experimental.pallas import tpu as pltpu
from jax.experimental.pallas import tpu_sc as plsc

_NUM_BINS = 5000
_NUM_LOGITS = 5000
_NUM_SEGMENTS = 42
_NUM_INTERVAL = (_NUM_SEGMENTS + 1) * _NUM_BINS
_BIN_CTR_W = 0.9995
_ONE_MINUS_BIN_CTR_W = 0.0005

_NW = 32
_C = 160
_H = _C // 2
_LAST_BASE = _NUM_LOGITS - _C
_LANES = 16


def _sc_body(segval_hbm, seglen_hbm, logit_hbm, pw_hbm, bne_hbm, bnp_hbm,
             calib_hbm, bins_hbm,
             logit_v, sl_v, si_a, si_b, sv_a, sv_b, bins_v, idx_a, idx_b,
             p_v, pos_a, pos_b, ex_a, ex_b, out_v, pw_v,
             s0, s1, s2, s3, s4, s5):
    wid = lax.axis_index("s") * 2 + lax.axis_index("c")
    base = jnp.where(wid == _NW - 1, _LAST_BASE, wid * _C)

    cp_sia = pltpu.async_copy(seglen_hbm.at[pl.ds(base, _H)], si_a, s0)
    cp_sib = pltpu.async_copy(seglen_hbm.at[pl.ds(base + _H, _H)], si_b, s1)
    cp_sl = pltpu.async_copy(seglen_hbm.at[pl.ds(base, _C + 1)], sl_v, s2)
    cp_lg = pltpu.async_copy(logit_hbm.at[pl.ds(base, _C)], logit_v, s3)
    cp_pw = pltpu.async_copy(pw_hbm, pw_v.at[pl.ds(0, 1)], s4)
    cp_sia.wait()
    cp_sva = pltpu.async_copy(segval_hbm.at[si_a], sv_a, s0)
    cp_sib.wait()
    cp_svb = pltpu.async_copy(segval_hbm.at[si_b], sv_b, s1)
    cp_pw.wait()
    w = pw_v[pl.ds(0, _LANES)][0]
    cp_lg.wait()

    def bin0_body(j, _):
        o = j * _LANES
        x = logit_v[pl.ds(o, _LANES)]
        p = w / (w + jnp.exp(-x))
        y = p * float(_NUM_BINS)
        t = y.astype(jnp.int32)
        bin0 = jnp.where(y > t.astype(jnp.float32), t, t - 1)
        p_v[pl.ds(o, _LANES)] = p
        bins_v[pl.ds(o, _LANES)] = bin0
        return 0

    lax.fori_loop(0, _C // _LANES, bin0_body, 0, unroll=False)

    cp_sl.wait()

    def finish_bins(half_off, sv_v, idx_v):
        def body(j, _):
            o = half_off + j * _LANES
            sl_lo = sl_v[pl.ds(o, _LANES)]
            sl_hi = sl_v[pl.ds(o + 1, _LANES)]
            dsv = jnp.where(sl_hi > sl_lo, sv_v[pl.ds(j * _LANES, _LANES)] + 1, 0)
            dsv = jnp.where(dsv > _NUM_SEGMENTS, 0, dsv)
            bin_id = bins_v[pl.ds(o, _LANES)] + dsv * _NUM_BINS
            bins_v[pl.ds(o, _LANES)] = bin_id
            idx_v[pl.ds(j * _LANES, _LANES)] = jnp.clip(bin_id, 0, _NUM_INTERVAL - 1)
            return 0

        lax.fori_loop(0, _H // _LANES, body, 0, unroll=False)

    cp_sva.wait()
    finish_bins(0, sv_a, idx_a)
    cp_pa = pltpu.async_copy(bnp_hbm.at[idx_a], pos_a, s3)
    cp_ea = pltpu.async_copy(bne_hbm.at[idx_a], ex_a, s4)

    cp_svb.wait()
    finish_bins(_H, sv_b, idx_b)
    cp_pb = pltpu.async_copy(bnp_hbm.at[idx_b], pos_b, s0)
    cp_eb = pltpu.async_copy(bne_hbm.at[idx_b], ex_b, s1)

    co_bins = pltpu.async_copy(bins_v, bins_hbm.at[pl.ds(base, _C)], s2)

    def blend(half_off, pos_v, ex_v):
        def body(j, _):
            o = half_off + j * _LANES
            pos = pos_v[pl.ds(j * _LANES, _LANES)]
            ex = ex_v[pl.ds(j * _LANES, _LANES)]
            p = p_v[pl.ds(o, _LANES)]
            v = (pos / ex) * _BIN_CTR_W + p * _ONE_MINUS_BIN_CTR_W
            out_v[pl.ds(o, _LANES)] = jnp.where(ex > 0.0, v, p)
            return 0

        lax.fori_loop(0, _H // _LANES, body, 0, unroll=False)

    cp_pa.wait()
    cp_ea.wait()
    blend(0, pos_a, ex_a)
    co_cala = pltpu.async_copy(out_v.at[pl.ds(0, _H)],
                               calib_hbm.at[pl.ds(base, _H)], s5)

    cp_pb.wait()
    cp_eb.wait()
    blend(_H, pos_b, ex_b)
    co_calb = pltpu.async_copy(out_v.at[pl.ds(_H, _H)],
                               calib_hbm.at[pl.ds(base + _H, _H)], s3)

    co_bins.wait()
    co_cala.wait()
    co_calb.wait()


@jax.jit
def _sc_call(segment_value, segment_lengths, logit, positive_weight, bne, bnp):
    mesh = plsc.VectorSubcoreMesh(core_axis_name="c", subcore_axis_name="s")
    f = pl.kernel(
        _sc_body,
        out_type=(
            jax.ShapeDtypeStruct((_NUM_LOGITS,), jnp.float32),
            jax.ShapeDtypeStruct((_NUM_LOGITS,), jnp.int32),
        ),
        mesh=mesh,
        scratch_types=[
            pltpu.VMEM((_C,), jnp.float32),
            pltpu.VMEM((_C + 1,), jnp.int32),
            pltpu.VMEM((_H,), jnp.int32),
            pltpu.VMEM((_H,), jnp.int32),
            pltpu.VMEM((_H,), jnp.int32),
            pltpu.VMEM((_H,), jnp.int32),
            pltpu.VMEM((_C,), jnp.int32),
            pltpu.VMEM((_H,), jnp.int32),
            pltpu.VMEM((_H,), jnp.int32),
            pltpu.VMEM((_C,), jnp.float32),
            pltpu.VMEM((_H,), jnp.float32),
            pltpu.VMEM((_H,), jnp.float32),
            pltpu.VMEM((_H,), jnp.float32),
            pltpu.VMEM((_H,), jnp.float32),
            pltpu.VMEM((_C,), jnp.float32),
            pltpu.VMEM((_LANES,), jnp.float32),
            pltpu.SemaphoreType.DMA,
            pltpu.SemaphoreType.DMA,
            pltpu.SemaphoreType.DMA,
            pltpu.SemaphoreType.DMA,
            pltpu.SemaphoreType.DMA,
            pltpu.SemaphoreType.DMA,
        ],
    )
    return f(segment_value, segment_lengths, logit, positive_weight, bne, bnp)


def kernel(segment_value, segment_lengths, logit, positive_weight,
           bin_num_examples, bin_num_positives):
    return _sc_call(segment_value, segment_lengths, logit, positive_weight,
                    bin_num_examples, bin_num_positives)

# --- scband reference (transcript-rebuilt; emitter-appended) ---
"""Pipeline reference for scband-histogram-binning-calibration-by-feature-45621142618493 (READ-ONLY COPY).

The authoritative reference and input builder live on the scoring server;
editing this copy changes nothing except your own understanding.
"""

import jax, jax.numpy as jnp
import numpy as np

NUM_BINS = 5000
NUM_LOGITS = 5000
NUM_SEGMENTS = 42
NUM_INTERVAL = (NUM_SEGMENTS + 1) * NUM_BINS
STEP = 1.0 / NUM_BINS
BIN_CTR_IN_USE_AFTER = 0
BIN_CTR_W = 0.9995
ONE_MINUS_BIN_CTR_W = 0.0005


def setup_inputs(seed: int = 0) -> dict:
    key = jax.random.key(seed)
    k1, k2, k3 = jax.random.split(key, 3)
    segment_value = jax.random.randint(k1, (NUM_LOGITS,), 0, 42, dtype=jnp.int32)
    segment_lengths = jnp.sort(jax.random.randint(k2, (NUM_LOGITS + 1,), 0, 5000, dtype=jnp.int32))
    logit = jax.random.normal(k3, (NUM_LOGITS,), dtype=jnp.float32)
    # buffers, matching torch __init__ initialization (zeros / 0.4)
    bin_num_examples = jnp.zeros((NUM_INTERVAL,), dtype=jnp.float32)
    bin_num_positives = jnp.zeros((NUM_INTERVAL,), dtype=jnp.float32)
    positive_weight = jnp.array([0.4], dtype=jnp.float32)
    return {
        "segment_value": segment_value,
        "segment_lengths": segment_lengths,
        "logit": logit,
        "positive_weight": positive_weight,
        "bin_num_examples": bin_num_examples,
        "bin_num_positives": bin_num_positives,
    }


def reference(segment_value, segment_lengths, logit, positive_weight, bin_num_examples, bin_num_positives):
    origin_prediction = jax.nn.sigmoid(logit + jnp.log(positive_weight))
    dense_segment_value = jnp.zeros((logit.size,), dtype=jnp.int32)
    validoffsets = segment_lengths[1:NUM_LOGITS + 1] > segment_lengths[0:NUM_LOGITS]
    gather_idx = segment_lengths[0:NUM_LOGITS].astype(jnp.int32)
    gathered_segment_values = (segment_value[gather_idx] + 1).astype(jnp.int32)
    dense_segment_value = jnp.where(validoffsets, gathered_segment_values, dense_segment_value)
    zeros = jnp.zeros_like(dense_segment_value)
    isnotvalid = dense_segment_value > NUM_SEGMENTS
    dense_segment_value = jnp.where(isnotvalid, zeros, dense_segment_value)
    bin_ids_data = jnp.ceil(origin_prediction / STEP) - 1
    bin_ids_data = bin_ids_data.astype(jnp.int32)
    curr_segment_value = dense_segment_value * NUM_BINS
    bin_ids_data = bin_ids_data + curr_segment_value
    curr_segment_value = bin_num_positives[bin_ids_data]
    curr_bin_num_examples = bin_num_examples[bin_ids_data]
    curr_segment_value = curr_segment_value / curr_bin_num_examples
    curr_segment_value = curr_segment_value.astype(jnp.float32)
    curr_segment_value = curr_segment_value * BIN_CTR_W + origin_prediction * ONE_MINUS_BIN_CTR_W
    isvalid = curr_bin_num_examples > BIN_CTR_IN_USE_AFTER
    calibrated_prediction_data = jnp.where(isvalid, curr_segment_value, origin_prediction.astype(jnp.float32))
    return (calibrated_prediction_data, bin_ids_data)

if __name__ == "__main__":
    import jax
    _d = setup_inputs()
    print(jax.jit(kernel)(*tuple(_d.values())))

</pallas_src>

<mosaic_0001>
#map = affine_map<(d0, d1) -> (0)>
module attributes {stable_mosaic.version = 14 : i64} {
  func.func @_sc_body(%arg0: i32, %arg1: i32, %arg2: memref<5000xi32, #tpu.memory_space<hbm>>, %arg3: memref<5001xi32, #tpu.memory_space<hbm>>, %arg4: memref<5000xf32, #tpu.memory_space<hbm>>, %arg5: memref<1xf32, #tpu.memory_space<hbm>>, %arg6: memref<215000xf32, #tpu.memory_space<hbm>>, %arg7: memref<215000xf32, #tpu.memory_space<hbm>>, %arg8: memref<5000xf32, #tpu.memory_space<hbm>>, %arg9: memref<5000xi32, #tpu.memory_space<hbm>>, %arg10: memref<160xf32, #tpu.memory_space<vmem>>, %arg11: memref<161xi32, #tpu.memory_space<vmem>>, %arg12: memref<80xi32, #tpu.memory_space<vmem>>, %arg13: memref<80xi32, #tpu.memory_space<vmem>>, %arg14: memref<80xi32, #tpu.memory_space<vmem>>, %arg15: memref<80xi32, #tpu.memory_space<vmem>>, %arg16: memref<160xi32, #tpu.memory_space<vmem>>, %arg17: memref<80xi32, #tpu.memory_space<vmem>>, %arg18: memref<80xi32, #tpu.memory_space<vmem>>, %arg19: memref<160xf32, #tpu.memory_space<vmem>>, %arg20: memref<80xf32, #tpu.memory_space<vmem>>, %arg21: memref<80xf32, #tpu.memory_space<vmem>>, %arg22: memref<80xf32, #tpu.memory_space<vmem>>, %arg23: memref<80xf32, #tpu.memory_space<vmem>>, %arg24: memref<160xf32, #tpu.memory_space<vmem>>, %arg25: memref<16xf32, #tpu.memory_space<vmem>>, %arg26: memref<!tpu.dma_semaphore, #tpu.memory_space<semaphore_mem>>, %arg27: memref<!tpu.dma_semaphore, #tpu.memory_space<semaphore_mem>>, %arg28: memref<!tpu.dma_semaphore, #tpu.memory_space<semaphore_mem>>, %arg29: memref<!tpu.dma_semaphore, #tpu.memory_space<semaphore_mem>>, %arg30: memref<!tpu.dma_semaphore, #tpu.memory_space<semaphore_mem>>, %arg31: memref<!tpu.dma_semaphore, #tpu.memory_space<semaphore_mem>>) attributes {dimension_semantics = [#tpu.dimension_semantics<core_parallel>, #tpu.dimension_semantics<subcore_parallel>], iteration_bounds = array<i64: 2, 16>, scalar_prefetch = 0 : i64, scratch_operands = 22 : i64, tpu.core_type = #tpu.core_type<sc_vector_subcore>, window_params = [{transform_indices = #map}, {transform_indices = #map}, {transform_indices = #map}, {transform_indices = #map}, {transform_indices = #map}, {transform_indices = #map}, {transform_indices = #map}, {transform_indices = #map}]} {
    %mul3A = arith.constant 2 : i32
    %mul3A_0 = arith.muli %arg1, %mul3A : i32
    %add3A = arith.addi %mul3A_0, %arg0 : i32
    %eq3A = arith.constant 31 : i32
    %eq3A_1 = arith.cmpi eq, %add3A, %eq3A : i32
    %mul3A_2 = arith.constant 160 : i32
    %mul3A_3 = arith.muli %add3A, %mul3A_2 : i32
    %jit3A = arith.constant 4840 : i32
    %select_n3A = arith.select %eq3A_1, %jit3A, %mul3A_3 : i32
    %dma_start3A = tpu.memref_slice %arg3[%select_n3A] : memref<5001xi32, #tpu.memory_space<hbm>> -> memref<80xi32, #tpu.memory_space<hbm>>
    %dma_start3A_4 = tpu.memref_slice %arg3[%select_n3A] : memref<5001xi32, #tpu.memory_space<hbm>> -> memref<80xi32, #tpu.memory_space<hbm>>
    tpu.enqueue_dma source(%dma_start3A_4 : memref<80xi32, #tpu.memory_space<hbm>>) target(%arg12 : memref<80xi32, #tpu.memory_space<vmem>>) target_semaphore(%arg26 : memref<!tpu.dma_semaphore, #tpu.memory_space<semaphore_mem>>)
    %add3A_5 = arith.constant 80 : i32
    %add3A_6 = arith.addi %select_n3A, %add3A_5 : i32
    %dma_start3A_7 = tpu.memref_slice %arg3[%add3A_6] : memref<5001xi32, #tpu.memory_space<hbm>> -> memref<80xi32, #tpu.memory_space<hbm>>
    %dma_start3A_8 = tpu.memref_slice %arg3[%add3A_6] : memref<5001xi32, #tpu.memory_space<hbm>> -> memref<80xi32, #tpu.memory_space<hbm>>
    tpu.enqueue_dma source(%dma_start3A_8 : memref<80xi32, #tpu.memory_space<hbm>>) target(%arg13 : memref<80xi32, #tpu.memory_space<vmem>>) target_semaphore(%arg27 : memref<!tpu.dma_semaphore, #tpu.memory_space<semaphore_mem>>)
    %dma_start3A_9 = tpu.memref_slice %arg3[%select_n3A] : memref<5001xi32, #tpu.memory_space<hbm>> -> memref<161xi32, #tpu.memory_space<hbm>>
    %dma_start3A_10 = tpu.memref_slice %arg3[%select_n3A] : memref<5001xi32, #tpu.memory_space<hbm>> -> memref<161xi32, #tpu.memory_space<hbm>>
    tpu.enqueue_dma source(%dma_start3A_10 : memref<161xi32, #tpu.memory_space<hbm>>) target(%arg11 : memref<161xi32, #tpu.memory_space<vmem>>) target_semaphore(%arg28 : memref<!tpu.dma_semaphore, #tpu.memory_space<semaphore_mem>>)
    %dma_start3A_11 = tpu.memref_slice %arg4[%select_n3A] : memref<5000xf32, #tpu.memory_space<hbm>> -> memref<160xf32, #tpu.memory_space<hbm>>
    %dma_start3A_12 = tpu.memref_slice %arg4[%select_n3A] : memref<5000xf32, #tpu.memory_space<hbm>> -> memref<160xf32, #tpu.memory_space<hbm>>
    tpu.enqueue_dma source(%dma_start3A_12 : memref<160xf32, #tpu.memory_space<hbm>>) target(%arg10 : memref<160xf32, #tpu.memory_space<vmem>>) target_semaphore(%arg29 : memref<!tpu.dma_semaphore, #tpu.memory_space<semaphore_mem>>)
    %dma_start3A_13 = arith.constant 0 : i32
    %dma_start3A_14 = tpu.memref_slice %arg25[%dma_start3A_13] : memref<16xf32, #tpu.memory_space<vmem>> -> memref<1xf32, #tpu.memory_space<vmem>>
    %dma_start3A_15 = arith.constant 0 : i32
    %dma_start3A_16 = tpu.memref_slice %arg25[%dma_start3A_15] : memref<16xf32, #tpu.memory_space<vmem>> -> memref<1xf32, #tpu.memory_space<vmem>>
    tpu.enqueue_dma source(%arg5 : memref<1xf32, #tpu.memory_space<hbm>>) target(%dma_start3A_16 : memref<1xf32, #tpu.memory_space<vmem>>) target_semaphore(%arg30 : memref<!tpu.dma_semaphore, #tpu.memory_space<semaphore_mem>>)
    %dma_wait3A = tpu.memref_slice %arg3[%select_n3A] : memref<5001xi32, #tpu.memory_space<hbm>> -> memref<80xi32, #tpu.memory_space<hbm>>
    %dma_wait3A_17 = tpu.memref_slice %arg3[%select_n3A] : memref<5001xi32, #tpu.memory_space<hbm>> -> memref<80xi32, #tpu.memory_space<hbm>>
    tpu.wait_dma2 semaphore(%arg26 : memref<!tpu.dma_semaphore, #tpu.memory_space<semaphore_mem>>) src(%dma_wait3A_17 : memref<80xi32, #tpu.memory_space<hbm>>) dst(%arg12 : memref<80xi32, #tpu.memory_space<vmem>>)
    %dma_start3A_18 = arith.constant 0 : i32
    %dma_start3A_19 = tpu.memref_slice %arg2[%dma_start3A_18] : memref<5000xi32, #tpu.memory_space<hbm>> -> memref<5000xi32, #tpu.memory_space<hbm>>
    tpu.enqueue_indirect_dma source(%dma_start3A_19 : memref<5000xi32, #tpu.memory_space<hbm>>) target(%arg14 : memref<80xi32, #tpu.memory_space<vmem>>) offsets(%arg12 : memref<80xi32, #tpu.memory_space<vmem>>) semaphore(%arg26 : memref<!tpu.dma_semaphore, #tpu.memory_space<semaphore_mem>>)
    %dma_wait3A_20 = tpu.memref_slice %arg3[%add3A_6] : memref<5001xi32, #tpu.memory_space<hbm>> -> memref<80xi32, #tpu.memory_space<hbm>>
    %dma_wait3A_21 = tpu.memref_slice %arg3[%add3A_6] : memref<5001xi32, #tpu.memory_space<hbm>> -> memref<80xi32, #tpu.memory_space<hbm>>
    tpu.wait_dma2 semaphore(%arg27 : memref<!tpu.dma_semaphore, #tpu.memory_space<semaphore_mem>>) src(%dma_wait3A_21 : memref<80xi32, #tpu.memory_space<hbm>>) dst(%arg13 : memref<80xi32, #tpu.memory_space<vmem>>)
    %dma_start3A_22 = arith.constant 0 : i32
    %dma_start3A_23 = tpu.memref_slice %arg2[%dma_start3A_22] : memref<5000xi32, #tpu.memory_space<hbm>> -> memref<5000xi32, #tpu.memory_space<hbm>>
    tpu.enqueue_indirect_dma source(%dma_start3A_23 : memref<5000xi32, #tpu.memory_space<hbm>>) target(%arg15 : memref<80xi32, #tpu.memory_space<vmem>>) offsets(%arg13 : memref<80xi32, #tpu.memory_space<vmem>>) semaphore(%arg27 : memref<!tpu.dma_semaphore, #tpu.memory_space<semaphore_mem>>)
    %dma_wait3A_24 = arith.constant 0 : i32
    %dma_wait3A_25 = tpu.memref_slice %arg25[%dma_wait3A_24] : memref<16xf32, #tpu.memory_space<vmem>> -> memref<1xf32, #tpu.memory_space<vmem>>
    %dma_wait3A_26 = arith.constant 0 : i32
    %dma_wait3A_27 = tpu.memref_slice %arg25[%dma_wait3A_26] : memref<16xf32, #tpu.memory_space<vmem>> -> memref<1xf32, #tpu.memory_space<vmem>>
    tpu.wait_dma2 semaphore(%arg30 : memref<!tpu.dma_semaphore, #tpu.memory_space<semaphore_mem>>) src(%arg5 : memref<1xf32, #tpu.memory_space<hbm>>) dst(%dma_wait3A_27 : memref<1xf32, #tpu.memory_space<vmem>>)
    %get3A = arith.constant 0 : index
    %get3A_28 = tpu.vector_load %arg25[%get3A] {strides = array<i32>} : memref<16xf32, #tpu.memory_space<vmem>>, vector<16xf32>,
    %get3A_29 = vector.shape_cast %get3A_28 : vector<16xf32> to vector<16xf32>
    %slice3A = vector.extract_strided_slice %get3A_29 {offsets = [0], sizes = [1], strides = [1]} : vector<16xf32> to vector<1xf32>
    %squeeze3A = vector.extract %slice3A[0] : f32 from vector<1xf32>
    %dma_wait3A_30 = tpu.memref_slice %arg4[%select_n3A] : memref<5000xf32, #tpu.memory_space<hbm>> -> memref<160xf32, #tpu.memory_space<hbm>>
    %dma_wait3A_31 = tpu.memref_slice %arg4[%select_n3A] : memref<5000xf32, #tpu.memory_space<hbm>> -> memref<160xf32, #tpu.memory_space<hbm>>
    tpu.wait_dma2 semaphore(%arg29 : memref<!tpu.dma_semaphore, #tpu.memory_space<semaphore_mem>>) src(%dma_wait3A_31 : memref<160xf32, #tpu.memory_space<hbm>>) dst(%arg10 : memref<160xf32, #tpu.memory_space<vmem>>)
    %scan3A = arith.constant 0 : i32
    %scan3A_32 = arith.constant 0 : i32
    %scan3A_33 = arith.constant 10 : i32
    %scan3A_34 = arith.addi %scan3A_32, %scan3A_33 : i32
    %scan3A_35 = arith.constant 1 : i32
    %scan3A_36 = scf.for %scan3A_118 = %scan3A_32 to %scan3A_34 step %scan3A_35 iter_args(%scan3A_119 = %scan3A) -> (i32)  : i32 {
      %mul3A_120 = arith.constant 16 : i32
      %mul3A_121 = arith.muli %scan3A_118, %mul3A_120 : i32
      %get3A_122 = arith.index_cast %mul3A_121 : i32 to index
      %get3A_123 = tpu.vector_load %arg10[%get3A_122] {strides = array<i32>} : memref<160xf32, #tpu.memory_space<vmem>>, vector<16xf32>,
      %get3A_124 = vector.shape_cast %get3A_123 : vector<16xf32> to vector<16xf32>
      %neg3A = arith.constant 0.000000e+00 : f32
      %neg3A_125 = vector.broadcast %neg3A : f32 to vector<16xf32>
      %neg3A_126 = arith.subf %neg3A_125, %get3A_124 : vector<16xf32>
      %exp3A = math.exp %neg3A_126 : vector<16xf32>
      %add3A_127 = vector.broadcast %squeeze3A : f32 to vector<16xf32>
      %add3A_128 = arith.addf %add3A_127, %exp3A : vector<16xf32>
      %div3A = vector.broadcast %squeeze3A : f32 to vector<16xf32>
      %div3A_129 = arith.divf %div3A, %add3A_128 : vector<16xf32>
      %mul3A_130 = arith.constant 5.000000e+03 : f32
      %mul3A_131 = vector.broadcast %mul3A_130 : f32 to vector<16xf32>
      %mul3A_132 = arith.mulf %div3A_129, %mul3A_131 : vector<16xf32>
      %convert_element_type3A = arith.fptosi %mul3A_132 : vector<16xf32> to vector<16xi32>
      %convert_element_type3A_133 = arith.sitofp %convert_element_type3A : vector<16xi32> to vector<16xf32>
      %gt3A = arith.cmpf ogt, %mul3A_132, %convert_element_type3A_133 : vector<16xf32>
      %sub3A = arith.constant 1 : i32
      %sub3A_134 = vector.broadcast %sub3A : i32 to vector<16xi32>
      %sub3A_135 = arith.subi %convert_element_type3A, %sub3A_134 : vector<16xi32>
      %select_n3A_136 = arith.select %gt3A, %convert_element_type3A, %sub3A_135 : vector<16xi1>, vector<16xi32>
      %swap3A = arith.index_cast %mul3A_121 : i32 to index
      %swap3A_137 = tpu.vector_load %arg19[%swap3A] {strides = array<i32>} : memref<160xf32, #tpu.memory_space<vmem>>, vector<16xf32>,
      %swap3A_138 = vector.shape_cast %swap3A_137 : vector<16xf32> to vector<16xf32>
      %swap3A_139 = vector.shape_cast %div3A_129 : vector<16xf32> to vector<16xf32>
      tpu.vector_store %arg19[%swap3A], %swap3A_139 {strides = array<i32>} : memref<160xf32, #tpu.memory_space<vmem>>, vector<16xf32>,
      %swap3A_140 = arith.index_cast %mul3A_121 : i32 to index
      %swap3A_141 = tpu.vector_load %arg16[%swap3A_140] {strides = array<i32>} : memref<160xi32, #tpu.memory_space<vmem>>, vector<16xi32>,
      %swap3A_142 = vector.shape_cast %swap3A_141 : vector<16xi32> to vector<16xi32>
      %swap3A_143 = vector.shape_cast %select_n3A_136 : vector<16xi32> to vector<16xi32>
      tpu.vector_store %arg16[%swap3A_140], %swap3A_143 {strides = array<i32>} : memref<160xi32, #tpu.memory_space<vmem>>, vector<16xi32>,
      %scan3A_144 = arith.constant 0 : i32
      scf.yield %scan3A_144 : i32
    }
    %scan3A_37 = arith.constant 10 : i32
    %dma_wait3A_38 = tpu.memref_slice %arg3[%select_n3A] : memref<5001xi32, #tpu.memory_space<hbm>> -> memref<161xi32, #tpu.memory_space<hbm>>
    %dma_wait3A_39 = tpu.memref_slice %arg3[%select_n3A] : memref<5001xi32, #tpu.memory_space<hbm>> -> memref<161xi32, #tpu.memory_space<hbm>>
    tpu.wait_dma2 semaphore(%arg28 : memref<!tpu.dma_semaphore, #tpu.memory_space<semaphore_mem>>) src(%dma_wait3A_39 : memref<161xi32, #tpu.memory_space<hbm>>) dst(%arg11 : memref<161xi32, #tpu.memory_space<vmem>>)
    %dma_wait3A_40 = arith.constant 0 : i32
    %dma_wait3A_41 = tpu.memref_slice %arg2[%dma_wait3A_40] : memref<5000xi32, #tpu.memory_space<hbm>> -> memref<5000xi32, #tpu.memory_space<hbm>>
    tpu.wait_indirect_dma semaphore(%arg26 : memref<!tpu.dma_semaphore, #tpu.memory_space<semaphore_mem>>) src(%dma_wait3A_41 : memref<5000xi32, #tpu.memory_space<hbm>>) dst(%arg14 : memref<80xi32, #tpu.memory_space<vmem>>)
    %scan3A_42 = arith.constant 0 : i32
    %scan3A_43 = arith.constant 0 : i32
    %scan3A_44 = arith.constant 5 : i32
    %scan3A_45 = arith.addi %scan3A_43, %scan3A_44 : i32
    %scan3A_46 = arith.constant 1 : i32
    %scan3A_47 = scf.for %scan3A_118 = %scan3A_43 to %scan3A_45 step %scan3A_46 iter_args(%scan3A_119 = %scan3A_42) -> (i32)  : i32 {
      %mul3A_120 = arith.constant 16 : i32
      %mul3A_121 = arith.muli %scan3A_118, %mul3A_120 : i32
      %add3A_122 = arith.constant 0 : i32
      %add3A_123 = arith.addi %add3A_122, %mul3A_121 : i32
      %get3A_124 = arith.index_cast %add3A_123 : i32 to index
      %get3A_125 = tpu.vector_load %arg11[%get3A_124] {strides = array<i32>} : memref<161xi32, #tpu.memory_space<vmem>>, vector<16xi32>,
      %get3A_126 = vector.shape_cast %get3A_125 : vector<16xi32> to vector<16xi32>
      %add3A_127 = arith.constant 1 : i32
      %add3A_128 = arith.addi %add3A_123, %add3A_127 : i32
      %get3A_129 = arith.index_cast %add3A_128 : i32 to index
      %get3A_130 = tpu.vector_load %arg11[%get3A_129] {strides = array<i32>} : memref<161xi32, #tpu.memory_space<vmem>>, vector<16xi32>,
      %get3A_131 = vector.shape_cast %get3A_130 : vector<16xi32> to vector<16xi32>
      %gt3A = arith.cmpi sgt, %get3A_131, %get3A_126 : vector<16xi32>
      %mul3A_132 = arith.constant 16 : i32
      %mul3A_133 = arith.muli %scan3A_118, %mul3A_132 : i32
      %get3A_134 = arith.index_cast %mul3A_133 : i32 to index
      %get3A_135 = tpu.vector_load %arg14[%get3A_134] {strides = array<i32>} : memref<80xi32, #tpu.memory_space<vmem>>, vector<16xi32>,
      %get3A_136 = vector.shape_cast %get3A_135 : vector<16xi32> to vector<16xi32>
      %add3A_137 = arith.constant 1 : i32
      %add3A_138 = vector.broadcast %add3A_137 : i32 to vector<16xi32>
      %add3A_139 = arith.addi %get3A_136, %add3A_138 : vector<16xi32>
      %jit3A_140 = arith.constant 0 : i32
      %broadcast_in_dim3A = vector.broadcast %jit3A_140 : i32 to vector<16xi32>
      %select_n3A_141 = arith.select %gt3A, %add3A_139, %broadcast_in_dim3A : vector<16xi1>, vector<16xi32>
      %gt3A_142 = arith.constant 42 : i32
      %gt3A_143 = vector.broadcast %gt3A_142 : i32 to vector<16xi32>
      %gt3A_144 = arith.cmpi sgt, %select_n3A_141, %gt3A_143 : vector<16xi32>
      %jit3A_145 = arith.constant 0 : i32
      %broadcast_in_dim3A_146 = vector.broadcast %jit3A_145 : i32 to vector<16xi32>
      %select_n3A_147 = arith.select %gt3A_144, %broadcast_in_dim3A_146, %select_n3A_141 : vector<16xi1>, vector<16xi32>
      %get3A_148 = arith.index_cast %add3A_123 : i32 to index
      %get3A_149 = tpu.vector_load %arg16[%get3A_148] {strides = array<i32>} : memref<160xi32, #tpu.memory_space<vmem>>, vector<16xi32>,
      %get3A_150 = vector.shape_cast %get3A_149 : vector<16xi32> to vector<16xi32>
      %mul3A_151 = arith.constant 5000 : i32
      %mul3A_152 = vector.broadcast %mul3A_151 : i32 to vector<16xi32>
      %mul3A_153 = arith.muli %select_n3A_147, %mul3A_152 : vector<16xi32>
      %add3A_154 = arith.addi %get3A_150, %mul3A_153 : vector<16xi32>
      %swap3A = arith.index_cast %add3A_123 : i32 to index
      %swap3A_155 = tpu.vector_load %arg16[%swap3A] {strides = array<i32>} : memref<160xi32, #tpu.memory_space<vmem>>, vector<16xi32>,
      %swap3A_156 = vector.shape_cast %swap3A_155 : vector<16xi32> to vector<16xi32>
      %swap3A_157 = vector.shape_cast %add3A_154 : vector<16xi32> to vector<16xi32>
      tpu.vector_store %arg16[%swap3A], %swap3A_157 {strides = array<i32>} : memref<160xi32, #tpu.memory_space<vmem>>, vector<16xi32>,
      %jit3A_158 = arith.constant 0 : i32
      %jit3A_159 = arith.constant 214999 : i32
      %max3A = vector.broadcast %jit3A_158 : i32 to vector<16xi32>
      %max3A_160 = arith.maxsi %max3A, %add3A_154 : vector<16xi32>
      %min3A = vector.broadcast %jit3A_159 : i32 to vector<16xi32>
      %min3A_161 = arith.minsi %min3A, %max3A_160 : vector<16xi32>
      %mul3A_162 = arith.constant 16 : i32
      %mul3A_163 = arith.muli %scan3A_118, %mul3A_162 : i32
      %swap3A_164 = arith.index_cast %mul3A_163 : i32 to index
      %swap3A_165 = tpu.vector_load %arg17[%swap3A_164] {strides = array<i32>} : memref<80xi32, #tpu.memory_space<vmem>>, vector<16xi32>,
      %swap3A_166 = vector.shape_cast %swap3A_165 : vector<16xi32> to vector<16xi32>
      %swap3A_167 = vector.shape_cast %min3A_161 : vector<16xi32> to vector<16xi32>
      tpu.vector_store %arg17[%swap3A_164], %swap3A_167 {strides = array<i32>} : memref<80xi32, #tpu.memory_space<vmem>>, vector<16xi32>,
      %scan3A_168 = arith.constant 0 : i32
      scf.yield %scan3A_168 : i32
    }
    %scan3A_48 = arith.constant 5 : i32
    %dma_start3A_49 = arith.constant 0 : i32
    %dma_start3A_50 = tpu.memref_slice %arg7[%dma_start3A_49] : memref<215000xf32, #tpu.memory_space<hbm>> -> memref<215000xf32, #tpu.memory_space<hbm>>
    tpu.enqueue_indirect_dma source(%dma_start3A_50 : memref<215000xf32, #tpu.memory_space<hbm>>) target(%arg20 : memref<80xf32, #tpu.memory_space<vmem>>) offsets(%arg17 : memref<80xi32, #tpu.memory_space<vmem>>) semaphore(%arg29 : memref<!tpu.dma_semaphore, #tpu.memory_space<semaphore_mem>>)
    %dma_start3A_51 = arith.constant 0 : i32
    %dma_start3A_52 = tpu.memref_slice %arg6[%dma_start3A_51] : memref<215000xf32, #tpu.memory_space<hbm>> -> memref<215000xf32, #tpu.memory_space<hbm>>
    tpu.enqueue_indirect_dma source(%dma_start3A_52 : memref<215000xf32, #tpu.memory_space<hbm>>) target(%arg22 : memref<80xf32, #tpu.memory_space<vmem>>) offsets(%arg17 : memref<80xi32, #tpu.memory_space<vmem>>) semaphore(%arg30 : memref<!tpu.dma_semaphore, #tpu.memory_space<semaphore_mem>>)
    %dma_wait3A_53 = arith.constant 0 : i32
    %dma_wait3A_54 = tpu.memref_slice %arg2[%dma_wait3A_53] : memref<5000xi32, #tpu.memory_space<hbm>> -> memref<5000xi32, #tpu.memory_space<hbm>>
    tpu.wait_indirect_dma semaphore(%arg27 : memref<!tpu.dma_semaphore, #tpu.memory_space<semaphore_mem>>) src(%dma_wait3A_54 : memref<5000xi32, #tpu.memory_space<hbm>>) dst(%arg15 : memref<80xi32, #tpu.memory_space<vmem>>)
    %scan3A_55 = arith.constant 0 : i32
    %scan3A_56 = arith.constant 0 : i32
    %scan3A_57 = arith.constant 5 : i32
    %scan3A_58 = arith.addi %scan3A_56, %scan3A_57 : i32
    %scan3A_59 = arith.constant 1 : i32
    %scan3A_60 = scf.for %scan3A_118 = %scan3A_56 to %scan3A_58 step %scan3A_59 iter_args(%scan3A_119 = %scan3A_55) -> (i32)  : i32 {
      %mul3A_120 = arith.constant 16 : i32
      %mul3A_121 = arith.muli %scan3A_118, %mul3A_120 : i32
      %add3A_122 = arith.constant 80 : i32
      %add3A_123 = arith.addi %add3A_122, %mul3A_121 : i32
      %get3A_124 = arith.index_cast %add3A_123 : i32 to index
      %get3A_125 = tpu.vector_load %arg11[%get3A_124] {strides = array<i32>} : memref<161xi32, #tpu.memory_space<vmem>>, vector<16xi32>,
      %get3A_126 = vector.shape_cast %get3A_125 : vector<16xi32> to vector<16xi32>
      %add3A_127 = arith.constant 1 : i32
      %add3A_128 = arith.addi %add3A_123, %add3A_127 : i32
      %get3A_129 = arith.index_cast %add3A_128 : i32 to index
      %get3A_130 = tpu.vector_load %arg11[%get3A_129] {strides = array<i32>} : memref<161xi32, #tpu.memory_space<vmem>>, vector<16xi32>,
      %get3A_131 = vector.shape_cast %get3A_130 : vector<16xi32> to vector<16xi32>
      %gt3A = arith.cmpi sgt, %get3A_131, %get3A_126 : vector<16xi32>
      %mul3A_132 = arith.constant 16 : i32
      %mul3A_133 = arith.muli %scan3A_118, %mul3A_132 : i32
      %get3A_134 = arith.index_cast %mul3A_133 : i32 to index
      %get3A_135 = tpu.vector_load %arg15[%get3A_134] {strides = array<i32>} : memref<80xi32, #tpu.memory_space<vmem>>, vector<16xi32>,
      %get3A_136 = vector.shape_cast %get3A_135 : vector<16xi32> to vector<16xi32>
      %add3A_137 = arith.constant 1 : i32
      %add3A_138 = vector.broadcast %add3A_137 : i32 to vector<16xi32>
      %add3A_139 = arith.addi %get3A_136, %add3A_138 : vector<16xi32>
      %jit3A_140 = arith.constant 0 : i32
      %broadcast_in_dim3A = vector.broadcast %jit3A_140 : i32 to vector<16xi32>
      %select_n3A_141 = arith.select %gt3A, %add3A_139, %broadcast_in_dim3A : vector<16xi1>, vector<16xi32>
      %gt3A_142 = arith.constant 42 : i32
      %gt3A_143 = vector.broadcast %gt3A_142 : i32 to vector<16xi32>
      %gt3A_144 = arith.cmpi sgt, %select_n3A_141, %gt3A_143 : vector<16xi32>
      %jit3A_145 = arith.constant 0 : i32
      %broadcast_in_dim3A_146 = vector.broadcast %jit3A_145 : i32 to vector<16xi32>
      %select_n3A_147 = arith.select %gt3A_144, %broadcast_in_dim3A_146, %select_n3A_141 : vector<16xi1>, vector<16xi32>
      %get3A_148 = arith.index_cast %add3A_123 : i32 to index
      %get3A_149 = tpu.vector_load %arg16[%get3A_148] {strides = array<i32>} : memref<160xi32, #tpu.memory_space<vmem>>, vector<16xi32>,
      %get3A_150 = vector.shape_cast %get3A_149 : vector<16xi32> to vector<16xi32>
      %mul3A_151 = arith.constant 5000 : i32
      %mul3A_152 = vector.broadcast %mul3A_151 : i32 to vector<16xi32>
      %mul3A_153 = arith.muli %select_n3A_147, %mul3A_152 : vector<16xi32>
      %add3A_154 = arith.addi %get3A_150, %mul3A_153 : vector<16xi32>
      %swap3A = arith.index_cast %add3A_123 : i32 to index
      %swap3A_155 = tpu.vector_load %arg16[%swap3A] {strides = array<i32>} : memref<160xi32, #tpu.memory_space<vmem>>, vector<16xi32>,
      %swap3A_156 = vector.shape_cast %swap3A_155 : vector<16xi32> to vector<16xi32>
      %swap3A_157 = vector.shape_cast %add3A_154 : vector<16xi32> to vector<16xi32>
      tpu.vector_store %arg16[%swap3A], %swap3A_157 {strides = array<i32>} : memref<160xi32, #tpu.memory_space<vmem>>, vector<16xi32>,
      %jit3A_158 = arith.constant 0 : i32
      %jit3A_159 = arith.constant 214999 : i32
      %max3A = vector.broadcast %jit3A_158 : i32 to vector<16xi32>
      %max3A_160 = arith.maxsi %max3A, %add3A_154 : vector<16xi32>
      %min3A = vector.broadcast %jit3A_159 : i32 to vector<16xi32>
      %min3A_161 = arith.minsi %min3A, %max3A_160 : vector<16xi32>
      %mul3A_162 = arith.constant 16 : i32
      %mul3A_163 = arith.muli %scan3A_118, %mul3A_162 : i32
      %swap3A_164 = arith.index_cast %mul3A_163 : i32 to index
      %swap3A_165 = tpu.vector_load %arg18[%swap3A_164] {strides = array<i32>} : memref<80xi32, #tpu.memory_space<vmem>>, vector<16xi32>,
      %swap3A_166 = vector.shape_cast %swap3A_165 : vector<16xi32> to vector<16xi32>
      %swap3A_167 = vector.shape_cast %min3A_161 : vector<16xi32> to vector<16xi32>
      tpu.vector_store %arg18[%swap3A_164], %swap3A_167 {strides = array<i32>} : memref<80xi32, #tpu.memory_space<vmem>>, vector<16xi32>,
      %scan3A_168 = arith.constant 0 : i32
      scf.yield %scan3A_168 : i32
    }
    %scan3A_61 = arith.constant 5 : i32
    %dma_start3A_62 = arith.constant 0 : i32
    %dma_start3A_63 = tpu.memref_slice %arg7[%dma_start3A_62] : memref<215000xf32, #tpu.memory_space<hbm>> -> memref<215000xf32, #tpu.memory_space<hbm>>
    tpu.enqueue_indirect_dma source(%dma_start3A_63 : memref<215000xf32, #tpu.memory_space<hbm>>) target(%arg21 : memref<80xf32, #tpu.memory_space<vmem>>) offsets(%arg18 : memref<80xi32, #tpu.memory_space<vmem>>) semaphore(%arg26 : memref<!tpu.dma_semaphore, #tpu.memory_space<semaphore_mem>>)
    %dma_start3A_64 = arith.constant 0 : i32
    %dma_start3A_65 = tpu.memref_slice %arg6[%dma_start3A_64] : memref<215000xf32, #tpu.memory_space<hbm>> -> memref<215000xf32, #tpu.memory_space<hbm>>
    tpu.enqueue_indirect_dma source(%dma_start3A_65 : memref<215000xf32, #tpu.memory_space<hbm>>) target(%arg23 : memref<80xf32, #tpu.memory_space<vmem>>) offsets(%arg18 : memref<80xi32, #tpu.memory_space<vmem>>) semaphore(%arg27 : memref<!tpu.dma_semaphore, #tpu.memory_space<semaphore_mem>>)
    %dma_start3A_66 = tpu.memref_slice %arg9[%select_n3A] : memref<5000xi32, #tpu.memory_space<hbm>> -> memref<160xi32, #tpu.memory_space<hbm>>
    %dma_start3A_67 = tpu.memref_slice %arg9[%select_n3A] : memref<5000xi32, #tpu.memory_space<hbm>> -> memref<160xi32, #tpu.memory_space<hbm>>
    tpu.enqueue_dma source(%arg16 : memref<160xi32, #tpu.memory_space<vmem>>) target(%dma_start3A_67 : memref<160xi32, #tpu.memory_space<hbm>>) target_semaphore(%arg28 : memref<!tpu.dma_semaphore, #tpu.memory_space<semaphore_mem>>)
    %dma_wait3A_68 = arith.constant 0 : i32
    %dma_wait3A_69 = tpu.memref_slice %arg7[%dma_wait3A_68] : memref<215000xf32, #tpu.memory_space<hbm>> -> memref<215000xf32, #tpu.memory_space<hbm>>
    tpu.wait_indirect_dma semaphore(%arg29 : memref<!tpu.dma_semaphore, #tpu.memory_space<semaphore_mem>>) src(%dma_wait3A_69 : memref<215000xf32, #tpu.memory_space<hbm>>) dst(%arg20 : memref<80xf32, #tpu.memory_space<vmem>>)
    %dma_wait3A_70 = arith.constant 0 : i32
    %dma_wait3A_71 = tpu.memref_slice %arg6[%dma_wait3A_70] : memref<215000xf32, #tpu.memory_space<hbm>> -> memref<215000xf32, #tpu.memory_space<hbm>>
    tpu.wait_indirect_dma semaphore(%arg30 : memref<!tpu.dma_semaphore, #tpu.memory_space<semaphore_mem>>) src(%dma_wait3A_71 : memref<215000xf32, #tpu.memory_space<hbm>>) dst(%arg22 : memref<80xf32, #tpu.memory_space<vmem>>)
    %scan3A_72 = arith.constant 0 : i32
    %scan3A_73 = arith.constant 0 : i32
    %scan3A_74 = arith.constant 5 : i32
    %scan3A_75 = arith.addi %scan3A_73, %scan3A_74 : i32
    %scan3A_76 = arith.constant 1 : i32
    %scan3A_77 = scf.for %scan3A_118 = %scan3A_73 to %scan3A_75 step %scan3A_76 iter_args(%scan3A_119 = %scan3A_72) -> (i32)  : i32 {
      %mul3A_120 = arith.constant 16 : i32
      %mul3A_121 = arith.muli %scan3A_118, %mul3A_120 : i32
      %add3A_122 = arith.constant 0 : i32
      %add3A_123 = arith.addi %add3A_122, %mul3A_121 : i32
      %mul3A_124 = arith.constant 16 : i32
      %mul3A_125 = arith.muli %scan3A_118, %mul3A_124 : i32
      %get3A_126 = arith.index_cast %mul3A_125 : i32 to index
      %get3A_127 = tpu.vector_load %arg20[%get3A_126] {strides = array<i32>} : memref<80xf32, #tpu.memory_space<vmem>>, vector<16xf32>,
      %get3A_128 = vector.shape_cast %get3A_127 : vector<16xf32> to vector<16xf32>
      %mul3A_129 = arith.constant 16 : i32
      %mul3A_130 = arith.muli %scan3A_118, %mul3A_129 : i32
      %get3A_131 = arith.index_cast %mul3A_130 : i32 to index
      %get3A_132 = tpu.vector_load %arg22[%get3A_131] {strides = array<i32>} : memref<80xf32, #tpu.memory_space<vmem>>, vector<16xf32>,
      %get3A_133 = vector.shape_cast %get3A_132 : vector<16xf32> to vector<16xf32>
      %get3A_134 = arith.index_cast %add3A_123 : i32 to index
      %get3A_135 = tpu.vector_load %arg19[%get3A_134] {strides = array<i32>} : memref<160xf32, #tpu.memory_space<vmem>>, vector<16xf32>,
      %get3A_136 = vector.shape_cast %get3A_135 : vector<16xf32> to vector<16xf32>
      %div3A = arith.divf %get3A_128, %get3A_133 : vector<16xf32>
      %mul3A_137 = arith.constant 0.999499976 : f32
      %mul3A_138 = vector.broadcast %mul3A_137 : f32 to vector<16xf32>
      %mul3A_139 = arith.mulf %div3A, %mul3A_138 : vector<16xf32>
      %mul3A_140 = arith.constant 5.000000e-04 : f32
      %mul3A_141 = vector.broadcast %mul3A_140 : f32 to vector<16xf32>
      %mul3A_142 = arith.mulf %get3A_136, %mul3A_141 : vector<16xf32>
      %add3A_143 = arith.addf %mul3A_139, %mul3A_142 : vector<16xf32>
      %gt3A = arith.constant 0.000000e+00 : f32
      %gt3A_144 = vector.broadcast %gt3A : f32 to vector<16xf32>
      %gt3A_145 = arith.cmpf ogt, %get3A_133, %gt3A_144 : vector<16xf32>
      %select_n3A_146 = arith.select %gt3A_145, %add3A_143, %get3A_136 : vector<16xi1>, vector<16xf32>
      %swap3A = arith.index_cast %add3A_123 : i32 to index
      %swap3A_147 = tpu.vector_load %arg24[%swap3A] {strides = array<i32>} : memref<160xf32, #tpu.memory_space<vmem>>, vector<16xf32>,
      %swap3A_148 = vector.shape_cast %swap3A_147 : vector<16xf32> to vector<16xf32>
      %swap3A_149 = vector.shape_cast %select_n3A_146 : vector<16xf32> to vector<16xf32>
      tpu.vector_store %arg24[%swap3A], %swap3A_149 {strides = array<i32>} : memref<160xf32, #tpu.memory_space<vmem>>, vector<16xf32>,
      %scan3A_150 = arith.constant 0 : i32
      scf.yield %scan3A_150 : i32
    }
    %scan3A_78 = arith.constant 5 : i32
    %dma_start3A_79 = arith.constant 0 : i32
    %dma_start3A_80 = tpu.memref_slice %arg24[%dma_start3A_79] : memref<160xf32, #tpu.memory_space<vmem>> -> memref<80xf32, #tpu.memory_space<vmem>>
    %dma_start3A_81 = tpu.memref_slice %arg8[%select_n3A] : memref<5000xf32, #tpu.memory_space<hbm>> -> memref<80xf32, #tpu.memory_space<hbm>>
    %dma_start3A_82 = tpu.memref_slice %arg8[%select_n3A] : memref<5000xf32, #tpu.memory_space<hbm>> -> memref<80xf32, #tpu.memory_space<hbm>>
    %dma_start3A_83 = arith.constant 0 : i32
    %dma_start3A_84 = tpu.memref_slice %arg24[%dma_start3A_83] : memref<160xf32, #tpu.memory_space<vmem>> -> memref<80xf32, #tpu.memory_space<vmem>>
    tpu.enqueue_dma source(%dma_start3A_84 : memref<80xf32, #tpu.memory_space<vmem>>) target(%dma_start3A_82 : memref<80xf32, #tpu.memory_space<hbm>>) target_semaphore(%arg31 : memref<!tpu.dma_semaphore, #tpu.memory_space<semaphore_mem>>)
    %dma_wait3A_85 = arith.constant 0 : i32
    %dma_wait3A_86 = tpu.memref_slice %arg7[%dma_wait3A_85] : memref<215000xf32, #tpu.memory_space<hbm>> -> memref<215000xf32, #tpu.memory_space<hbm>>
    tpu.wait_indirect_dma semaphore(%arg26 : memref<!tpu.dma_semaphore, #tpu.memory_space<semaphore_mem>>) src(%dma_wait3A_86 : memref<215000xf32, #tpu.memory_space<hbm>>) dst(%arg21 : memref<80xf32, #tpu.memory_space<vmem>>)
    %dma_wait3A_87 = arith.constant 0 : i32
    %dma_wait3A_88 = tpu.memref_slice %arg6[%dma_wait3A_87] : memref<215000xf32, #tpu.memory_space<hbm>> -> memref<215000xf32, #tpu.memory_space<hbm>>
    tpu.wait_indirect_dma semaphore(%arg27 : memref<!tpu.dma_semaphore, #tpu.memory_space<semaphore_mem>>) src(%dma_wait3A_88 : memref<215000xf32, #tpu.memory_space<hbm>>) dst(%arg23 : memref<80xf32, #tpu.memory_space<vmem>>)
    %scan3A_89 = arith.constant 0 : i32
    %scan3A_90 = arith.constant 0 : i32
    %scan3A_91 = arith.constant 5 : i32
    %scan3A_92 = arith.addi %scan3A_90, %scan3A_91 : i32
    %scan3A_93 = arith.constant 1 : i32
    %scan3A_94 = scf.for %scan3A_118 = %scan3A_90 to %scan3A_92 step %scan3A_93 iter_args(%scan3A_119 = %scan3A_89) -> (i32)  : i32 {
      %mul3A_120 = arith.constant 16 : i32
      %mul3A_121 = arith.muli %scan3A_118, %mul3A_120 : i32
      %add3A_122 = arith.constant 80 : i32
      %add3A_123 = arith.addi %add3A_122, %mul3A_121 : i32
      %mul3A_124 = arith.constant 16 : i32
      %mul3A_125 = arith.muli %scan3A_118, %mul3A_124 : i32
      %get3A_126 = arith.index_cast %mul3A_125 : i32 to index
      %get3A_127 = tpu.vector_load %arg21[%get3A_126] {strides = array<i32>} : memref<80xf32, #tpu.memory_space<vmem>>, vector<16xf32>,
      %get3A_128 = vector.shape_cast %get3A_127 : vector<16xf32> to vector<16xf32>
      %mul3A_129 = arith.constant 16 : i32
      %mul3A_130 = arith.muli %scan3A_118, %mul3A_129 : i32
      %get3A_131 = arith.index_cast %mul3A_130 : i32 to index
      %get3A_132 = tpu.vector_load %arg23[%get3A_131] {strides = array<i32>} : memref<80xf32, #tpu.memory_space<vmem>>, vector<16xf32>,
      %get3A_133 = vector.shape_cast %get3A_132 : vector<16xf32> to vector<16xf32>
      %get3A_134 = arith.index_cast %add3A_123 : i32 to index
      %get3A_135 = tpu.vector_load %arg19[%get3A_134] {strides = array<i32>} : memref<160xf32, #tpu.memory_space<vmem>>, vector<16xf32>,
      %get3A_136 = vector.shape_cast %get3A_135 : vector<16xf32> to vector<16xf32>
      %div3A = arith.divf %get3A_128, %get3A_133 : vector<16xf32>
      %mul3A_137 = arith.constant 0.999499976 : f32
      %mul3A_138 = vector.broadcast %mul3A_137 : f32 to vector<16xf32>
      %mul3A_139 = arith.mulf %div3A, %mul3A_138 : vector<16xf32>
      %mul3A_140 = arith.constant 5.000000e-04 : f32
      %mul3A_141 = vector.broadcast %mul3A_140 : f32 to vector<16xf32>
      %mul3A_142 = arith.mulf %get3A_136, %mul3A_141 : vector<16xf32>
      %add3A_143 = arith.addf %mul3A_139, %mul3A_142 : vector<16xf32>
      %gt3A = arith.constant 0.000000e+00 : f32
      %gt3A_144 = vector.broadcast %gt3A : f32 to vector<16xf32>
      %gt3A_145 = arith.cmpf ogt, %get3A_133, %gt3A_144 : vector<16xf32>
      %select_n3A_146 = arith.select %gt3A_145, %add3A_143, %get3A_136 : vector<16xi1>, vector<16xf32>
      %swap3A = arith.index_cast %add3A_123 : i32 to index
      %swap3A_147 = tpu.vector_load %arg24[%swap3A] {strides = array<i32>} : memref<160xf32, #tpu.memory_space<vmem>>, vector<16xf32>,
      %swap3A_148 = vector.shape_cast %swap3A_147 : vector<16xf32> to vector<16xf32>
      %swap3A_149 = vector.shape_cast %select_n3A_146 : vector<16xf32> to vector<16xf32>
      tpu.vector_store %arg24[%swap3A], %swap3A_149 {strides = array<i32>} : memref<160xf32, #tpu.memory_space<vmem>>, vector<16xf32>,
      %scan3A_150 = arith.constant 0 : i32
      scf.yield %scan3A_150 : i32
    }
    %scan3A_95 = arith.constant 5 : i32
    %add3A_96 = arith.constant 80 : i32
    %add3A_97 = arith.addi %select_n3A, %add3A_96 : i32
    %dma_start3A_98 = arith.constant 80 : i32
    %dma_start3A_99 = tpu.memref_slice %arg24[%dma_start3A_98] : memref<160xf32, #tpu.memory_space<vmem>> -> memref<80xf32, #tpu.memory_space<vmem>>
    %dma_start3A_100 = tpu.memref_slice %arg8[%add3A_97] : memref<5000xf32, #tpu.memory_space<hbm>> -> memref<80xf32, #tpu.memory_space<hbm>>
    %dma_start3A_101 = tpu.memref_slice %arg8[%add3A_97] : memref<5000xf32, #tpu.memory_space<hbm>> -> memref<80xf32, #tpu.memory_space<hbm>>
    %dma_start3A_102 = arith.constant 80 : i32
    %dma_start3A_103 = tpu.memref_slice %arg24[%dma_start3A_102] : memref<160xf32, #tpu.memory_space<vmem>> -> memref<80xf32, #tpu.memory_space<vmem>>
    tpu.enqueue_dma source(%dma_start3A_103 : memref<80xf32, #tpu.memory_space<vmem>>) target(%dma_start3A_101 : memref<80xf32, #tpu.memory_space<hbm>>) target_semaphore(%arg29 : memref<!tpu.dma_semaphore, #tpu.memory_space<semaphore_mem>>)
    %dma_wait3A_104 = tpu.memref_slice %arg9[%select_n3A] : memref<5000xi32, #tpu.memory_space<hbm>> -> memref<160xi32, #tpu.memory_space<hbm>>
    %dma_wait3A_105 = tpu.memref_slice %arg9[%select_n3A] : memref<5000xi32, #tpu.memory_space<hbm>> -> memref<160xi32, #tpu.memory_space<hbm>>
    tpu.wait_dma2 semaphore(%arg28 : memref<!tpu.dma_semaphore, #tpu.memory_space<semaphore_mem>>) src(%arg16 : memref<160xi32, #tpu.memory_space<vmem>>) dst(%dma_wait3A_105 : memref<160xi32, #tpu.memory_space<hbm>>)
    %dma_wait3A_106 = arith.constant 0 : i32
    %dma_wait3A_107 = tpu.memref_slice %arg24[%dma_wait3A_106] : memref<160xf32, #tpu.memory_space<vmem>> -> memref<80xf32, #tpu.memory_space<vmem>>
    %dma_wait3A_108 = tpu.memref_slice %arg8[%select_n3A] : memref<5000xf32, #tpu.memory_space<hbm>> -> memref<80xf32, #tpu.memory_space<hbm>>
    %dma_wait3A_109 = tpu.memref_slice %arg8[%select_n3A] : memref<5000xf32, #tpu.memory_space<hbm>> -> memref<80xf32, #tpu.memory_space<hbm>>
    %dma_wait3A_110 = arith.constant 0 : i32
    %dma_wait3A_111 = tpu.memref_slice %arg24[%dma_wait3A_110] : memref<160xf32, #tpu.memory_space<vmem>> -> memref<80xf32, #tpu.memory_space<vmem>>
    tpu.wait_dma2 semaphore(%arg31 : memref<!tpu.dma_semaphore, #tpu.memory_space<semaphore_mem>>) src(%dma_wait3A_111 : memref<80xf32, #tpu.memory_space<vmem>>) dst(%dma_wait3A_109 : memref<80xf32, #tpu.memory_space<hbm>>)
    %dma_wait3A_112 = arith.constant 80 : i32
    %dma_wait3A_113 = tpu.memref_slice %arg24[%dma_wait3A_112] : memref<160xf32, #tpu.memory_space<vmem>> -> memref<80xf32, #tpu.memory_space<vmem>>
    %dma_wait3A_114 = tpu.memref_slice %arg8[%add3A_97] : memref<5000xf32, #tpu.memory_space<hbm>> -> memref<80xf32, #tpu.memory_space<hbm>>
    %dma_wait3A_115 = tpu.memref_slice %arg8[%add3A_97] : memref<5000xf32, #tpu.memory_space<hbm>> -> memref<80xf32, #tpu.memory_space<hbm>>
    %dma_wait3A_116 = arith.constant 80 : i32
    %dma_wait3A_117 = tpu.memref_slice %arg24[%dma_wait3A_116] : memref<160xf32, #tpu.memory_space<vmem>> -> memref<80xf32, #tpu.memory_space<vmem>>
    tpu.wait_dma2 semaphore(%arg29 : memref<!tpu.dma_semaphore, #tpu.memory_space<semaphore_mem>>) src(%dma_wait3A_117 : memref<80xf32, #tpu.memory_space<vmem>>) dst(%dma_wait3A_115 : memref<80xf32, #tpu.memory_space<hbm>>)
    return
  }
}

</mosaic_0001>

<sc_bundles>
// kernel: _sc_call.3.cloned.1.call-start
scs
__scs_entry_jumppad:
0x0: {  	(pc) =	sbr.rel $0x88, $3  }
0x1: {  	(tag) =	ssettag $0x0;
	lr =	simm.s32 $0x1  }
0x2: {  	[smem:$0x3F9B] =	sst lr;
	_ =	strace $0xD0000000  }
0x3: {  	_ = 	snop  }
0x4: {  	_ = 	snop  }
0x5: {  	_ = 	snop  }
0x6: {  	_ = 	snop  }
0x7: {  	_ = 	snop  }
__scs_overlays_trampoline_lowered:
0x8: {  	[smem:$0x3FAA] =	sst s0  }
0x9: {  	[smem:$0x3FAB] =	sst s1  }
0xa: {  	[smem:$0x3FAC] =	sst s2  }
0xb: {  	[smem:$0x3FAD] =	sst s3  }
0xc: {  	[smem:$0x3FAE] =	sst s4  }
0xd: {  	[smem:$0x3FAF] =	sst s5  }
0xe: {  	[smem:$0x3FB0] =	sst s6  }
0xf: {  	[smem:$0x3FB1] =	sst s7  }
0x10: {  	[smem:$0x3FB2] =	sst s8  }
0x11: {  	[smem:$0x3FB3] =	sst s9;
	s0 =	simm.s32 @!p0 $0x0  }
0x12: {  	s1 =	sld [smem:$0x3F99];
	s0 =	simm.s32 @p0 $0x1  }
0x13: {  	[smem:$0x3FB4] =	sst s0;
	s0 =	simm.s32 @!p1 $0x0  }
0x14: {  	s2 =	sld [smem:$0x3F98];
	s0 =	simm.s32 @p1 $0x1  }
0x15: {  	[smem:$0x3FB5] =	sst s0;
	s0 =	simm.s32 @!p2 $0x0  }
0x16: {  	s3 =	sld [smem:$0x3FDB];
	s0 =	simm.s32 @p2 $0x1  }
0x17: {  	s4 =	simm.s32 $0x1BF5;
	[smem:$0x3FB7] =	sst s0  }
0x18: {  	s0 =	sld [smem:$0x3F9A];
	_ =	swait.ge [sflag:s4], $0x0  }
0x19: {  	s7 =	sld [smem:$0x3F9B]  }
0x1a: {  	s8 =	sadd.s32 $0xFFFFE003, lr  }
0x1b: {  	s9 =	sadd.s32 $0xFFFFFEF7, lr;
	s5 =	simm.s32 $0xFFFFFFFF;
	p2 =	slt.u32 s8, $0xFFFFF086  }
0x1c: {  	p1 =	slt.u32 s9, $0xF7A;
	s5 =	simm.s32 @!p2 $0x0  }
0x1d: {  	s5 =	simm.s32 @p1 $0x1;
	p0 =	seq.s32 s7, s2  }
0x1e: {  	s7 =	smul.u32 @!p0 $0xF7A, s2;
	p2 =	seq.s32 @!p0 s5, $0x0  }
0x1f: {  	s9 =	smul.u32 $0xF7A, s1;
	s8 =	simm.s32 @!p0 $0x1BF5;
	p2 =	por !p2, p0  }
0x20: {  	[sflag:s8] =	ssyncset.s32 @!p0 $0xFFFFF086;
	s6 =	sadd.s32 @!p0 s3, s7;
	s7 =	simm.s32 @!p0 $0x108  }
0x21: {  	s3 =	sadd.s32 s3, s9;
	s6 =	sadd.s32 @!p0 $0x88, s6;
	s7 =	simm.s32 @p2 $0x1082  }
0x22: {  	[simem:s7], [sflag:s8] =	dma.local @!p0 [hbm:s6], $0xF7A  }
0x23: {  	s9 =	sor.u32 $0xD0000000, s2;
	s6 =	simm.s32 $0x108;
	_ =	swait.ge @!p0 [sflag:s8], $0x0  }
0x24: {  	s3 =	sadd.s32 $0x88, s3;
	s6 =	simm.s32 @!p1 $0x1082;
	[sflag:s4] =	ssyncset.s32 $0xFFFFF086  }
0x25: {  	[simem:s6], [sflag:s4] =	dma.local [hbm:s3], $0xF7A  }
0x26: {  	[smem:$0x3F9B] =	sst s1;
	(tag) =	ssettag s2;
	_ =	strace s9  }
0x27: {  	s1 =	sld [smem:$0x3FAB]  }
0x28: {  	s2 =	sld [smem:$0x3FAC]  }
0x29: {  	s4 =	sld [smem:$0x3FAE]  }
0x2a: {  	p0 =	seq.s32 s5, $0x0;
	s5 =	sld [smem:$0x3FAF]  }
0x2b: {  	s6 =	sld [smem:$0x3FB0]  }
0x2c: {  	s7 =	sld [smem:$0x3FB1]  }
0x2d: {  	s3 =	simm.s32 $0x108;
	s8 =	sld [smem:$0x3FB2]  }
0x2e: {  	s3 =	simm.s32 @!p0 $0x1082;
	s9 =	sld [smem:$0x3FB3]  }
0x2f: {  	lr =	sadd.s32 s0, s3;
	s0 =	sld [smem:$0x3FAA]  }
0x30: {  	s3 =	sld [smem:$0x3FAD]  }
0x31: {  	[smem:$0x3FB6] =	sst s10  }
0x32: {  	s10 =	sld [smem:$0x3FB4];
	_ =	sdelay $0x3  }
0x33: {  	p0 =	seq.s32 s10, $0x1;
	s10 =	sld [smem:$0x3FB6];
	_ =	sdelay $0x3  }
0x34: {  	[smem:$0x3FB6] =	sst s10  }
0x35: {  	s10 =	sld [smem:$0x3FB5];
	_ =	sdelay $0x3  }
0x36: {  	p1 =	seq.s32 s10, $0x1;
	s10 =	sld [smem:$0x3FB6];
	_ =	sdelay $0x3  }
0x37: {  	[smem:$0x3FB6] =	sst s10  }
0x38: {  	s10 =	sld [smem:$0x3FB7]  }
0x39: {  	_ = 	snop;
	(pc) =	sbr.ind lr, $3  }
0x3a: {  	_ = 	snop  }
0x3b: {  	_ = 	snop  }
0x3c: {  	p2 =	seq.s32 s10, $0x1;
	s10 =	sld [smem:$0x3FB6]  }
0x3d: {  	_ =	shalt  }
0x3e: {  	_ =	shalt  }
0x3f: {  	_ =	shalt  }
0x40: {  	_ =	shalt  }
0x41: {  	_ =	shalt  }
0x42: {  	_ =	shalt  }
0x43: {  	_ =	shalt  }
0x44: {  	_ =	shalt  }
0x45: {  	_ =	shalt  }
0x46: {  	_ =	shalt  }
0x47: {  	_ =	shalt  }
0x48: {  	_ =	shalt  }
0x49: {  	_ =	shalt  }
0x4a: {  	_ =	shalt  }
0x4b: {  	_ =	shalt  }
0x4c: {  	_ =	shalt  }
0x4d: {  	_ =	shalt  }
0x4e: {  	_ =	shalt  }
0x4f: {  	_ =	shalt  }
0x50: {  	_ =	shalt  }
0x51: {  	_ =	shalt  }
0x52: {  	_ =	shalt  }
0x53: {  	_ =	shalt  }
0x54: {  	_ =	shalt  }
0x55: {  	_ =	shalt  }
0x56: {  	_ =	shalt  }
0x57: {  	_ =	shalt  }
0x58: {  	_ =	shalt  }
0x59: {  	_ =	shalt  }
0x5a: {  	_ =	shalt  }
0x5b: {  	_ =	shalt  }
0x5c: {  	_ =	shalt  }
0x5d: {  	_ =	shalt  }
0x5e: {  	_ =	shalt  }
0x5f: {  	_ =	shalt  }
0x60: {  	_ =	shalt  }
0x61: {  	_ =	shalt  }
0x62: {  	_ =	shalt  }
0x63: {  	_ =	shalt  }
0x64: {  	_ =	shalt  }
0x65: {  	_ =	shalt  }
0x66: {  	_ =	shalt  }
0x67: {  	_ =	shalt  }
0x68: {  	_ =	shalt  }
0x69: {  	_ =	shalt  }
0x6a: {  	_ =	shalt  }
0x6b: {  	_ =	shalt  }
0x6c: {  	_ =	shalt  }
0x6d: {  	_ =	shalt  }
0x6e: {  	_ =	shalt  }
0x6f: {  	_ =	shalt  }
0x70: {  	_ =	shalt  }
0x71: {  	_ =	shalt  }
0x72: {  	_ =	shalt  }
0x73: {  	_ =	shalt  }
0x74: {  	_ =	shalt  }
0x75: {  	_ =	shalt  }
0x76: {  	_ =	shalt  }
0x77: {  	_ =	shalt  }
0x78: {  	_ =	shalt  }
0x79: {  	_ =	shalt  }
0x7a: {  	_ =	shalt  }
0x7b: {  	_ =	shalt  }
0x7c: {  	_ =	shalt  }
0x7d: {  	_ =	shalt  }
0x7e: {  	_ =	shalt  }
0x7f: {  	_ =	shalt  }
0x80: {  	_ =	shalt  }
0x81: {  	_ =	shalt  }
0x82: {  	_ =	shalt  }
0x83: {  	_ =	shalt  }
0x84: {  	_ =	shalt  }
0x85: {  	_ =	shalt  }
0x86: {  	_ =	shalt  }
0x87: {  	_ =	shalt  }
.Lfunc_end0:
.L_simem_size_0:
called_computation_lowered:
.L_overlay_start_0:
0x88: {  	s2 =	sld [smem:$0x3FD9]  }
0x89: {  	s3 =	sld [smem:$0x3FFE];
	_ =	sdelay $0x1  }
0x8a: {  	s1 =	srdreg.scid  }
0x8b: {  	s0 =	sand.u32 $0x1, s1  }
0x8c: {  	s15 =	sshll.u32 s0, $0xA;
	s2 =	sadd.s32 s3, s2  }
0x8d: {  	s2 =	sadd.s32 s2, s15  }
0x8e: {  	[smem:$0x3FC2] =	sst s2  }
0x8f: {  	_ = 	snop  }
0x90: {  	s2 =	sld [smem:$0x3FC9]  }
0x91: {  	s16 =	sld [smem:$0x3FC8]  }
0x92: {  	s4 =	sld [smem:$0x3FC7]  }
0x93: {  	s5 =	sld [smem:$0x3FD0]  }
0x94: {  	s6 =	sld [smem:$0x3FC6]  }
0x95: {  	s7 =	sld [smem:$0x3FC5]  }
0x96: {  	s9 =	simm.s32 $0xA;
	s10 =	simm.s32 $0x10;
	s8 =	sld [smem:$0x3FC4]  }
0x97: {  	[smem:s10], [sflag:s9] =	dma.local [hbm:s5], $0x1  }
0x98: {  	_ =	swait.eq [sflag:s9], $0x1  }
0x99: {  	[sflag:s9] =	ssyncset.done $0x0  }
0x9a: {  	s17 =	sld [smem:$0x10];
	[sflag:s9] =	ssyncadd.s32 $0xFFFFFFFF  }
0x9b: {  	s18 =	sld [smem:$0x11];
	(tm) =	ssettm $0x1  }
0x9c: {  	s19 =	sld [smem:$0x3FFB];
	_ =	sdelay $0x3  }
0x9d: {  	_ =	strace s19  }
0x9e: {  	s10 =	sld [smem:$0x3FFC];
	_ =	sdelay $0x3  }
0x9f: {  	_ =	strace s10  }
0xa0: {  	s10 =	sld [smem:$0x3FFD];
	_ =	sdelay $0x3  }
0xa1: {  	_ =	strace s10  }
0xa2: {  	_ =	strace $0x8FFFFFFF  }
0xa3: {  	s20 =	sld [smem:$0x3FDB];
	_ =	sdelay $0x1  }
0xa4: {  	s11 =	simm.s32 $_scs_section_size  }
0xa5: {  	s12 =	simm.s32 $_size__tile_overlayer_lowered;
	s13 =	simm.s32 $_tile_overlayer_lowered  }
0xa6: {  	s23 =	simm.s32 $0x1BFF;
	s22 =	sshll.u32 s13, $0x1;
	s10 =	sadd.s32 s11, s20  }
0xa7: {  	s14 =	simm.s32 $0x0;
	s21 =	sshll.u32 s12, $0x1;
	s12 =	sadd.s32 s22, s10  }
0xa8: {  	[timem:s14], [sflag:s23] =	dma.local [hbm:s12], s21  }
0xa9: {  	_ =	swait.ge [sflag:s23], s21  }
0xaa: {  	s11 =	ssub.s32 $0x0, s21;
	[sflag:s23] =	ssyncset.done $0x0  }
0xab: {  	[sflag:s23] =	ssyncadd.s32 s11;
	_ =	sdelay $0x1  }
0xac: {  	s24 =	simm.s32 $0x1B8B  }
0xad: {  	_ =	swait.ge [sflag:s24], $0x1  }
0xae: {  	[sflag:s24] =	ssyncset.done $0x0  }
0xaf: {  	s25 =	simm.s32 $0x1B8E;
	[sflag:s24] =	ssyncadd.s32 $0xFFFFFFFF  }
0xb0: {  	s26 =	simm.s32 $execute0_lowered;
	[smem:$0x3FD2] =	sst s25  }
0xb1: {  	s11 =	sshll.u32 s26, $0x1;
	_ =	strace $0x80000046;
	[dreg:$0x1] =	wrdreg $0xFFFFFFFF  }
0xb2: {  	s28 =	simm.s32 $_size_execute0_lowered;
	s10 =	sadd.s32 s10, s11;
	[dreg:$0x0] =	wrdreg $0x0  }
0xb3: {  	s11 =	sshll.u32 s28, $0x1;
	[dreg:$0x2] =	wrdreg s10  }
0xb4: {  	[dreg:$0x3] =	wrdreg s11  }
0xb5: {  	[dreg:$0x4] =	wrdreg $0xC0  }
0xb6: {  	_ =	task [dreg:s14], $0x5FFFF  }
0xb7: {  	[dreg:$0x1] =	wrdreg $0xFFFFFFFF  }
0xb8: {  	[dreg:$0x0] =	wrdreg $0x60  }
0xb9: {  	[dreg:$0x2] =	wrdreg s2  }
0xba: {  	[dreg:$0x3] =	wrdreg s16  }
0xbb: {  	[dreg:$0x4] =	wrdreg s4  }
0xbc: {  	[dreg:$0x5] =	wrdreg s6  }
0xbd: {  	[dreg:$0x6] =	wrdreg s7  }
0xbe: {  	[dreg:$0x7] =	wrdreg s8  }
0xbf: {  	[dreg:$0x8] =	wrdreg s17  }
0xc0: {  	[dreg:$0x9] =	wrdreg s18  }
0xc1: {  	[dreg:$0xa] =	wrdreg $0x9  }
0xc2: {  	_ =	task.clear_ibuf [dreg:s14], $0xBFFFF;
	_ =	strace $0x90000046  }
0xc3: {  	s29 =	simm.s32 $0x9;
	_ =	strace $0x80000048  }
0xc4: {  	_ =	swait.ge [sflag:s29], $0x1  }
0xc5: {  	[sflag:s29] =	ssyncadd.s32 $0xFFFFFFFF  }
0xc6: {  	_ =	strace $0x90000048  }
0xc7: {  	_ =	sfence  }
0xc8: {  	s30 =	sld [smem:$0x0];
	_ =	sdelay $0x2  }
0xc9: {  	s31 =	sshll.u32 s1, $0xD;
	s1 =	sshrl.u32 s1, $0x2  }
0xca: {  	s3 =	sand.u32 $0x4000, s31;
	s1 =	sadd.s32 s1, s30  }
0xcb: {  	s0 =	sor.u32 s3, s0;
	s1 =	sshll.u32 s1, $0x11  }
0xcc: {  	s0 =	sor.u32 s1, s0  }
0xcd: {  	s0 =	sadd.s32 $0x8F2B, s0  }
0xce: {  	[sflag:s0] =	ssyncadd.remote.s32 $0x1  }
0xcf: {  	_ =	sfence.sel $0xFFFF  }
0xd0: {  	[dreg:$0x0] =	wrdreg $0xFFFFFFFF;
	(pc) =	sbr.abs _section_cstart, $3  }
0xd1: {  	[dreg:$0x1] =	wrdreg $0xFFFFFFFF  }
0xd2: {  	_ =	task.clear_ibuf [dreg:s14], $0x2FFFF;
	_ =	strace $0x9FFFFFFF  }
0xd3: {  	(tm) =	ssettm $0x7FFFFFFF  }
tec
execute0_lowered:
.L_overlay_start_1:
0x0: {  	(tag) =	ssettag $0x1  }
0x1: {  	s0 =	rddreg [dreg:$0x0]  }
0x2: {  	s3 =	rddreg [dreg:$0x1]  }
0x3: {  	s6 =	rddreg [dreg:$0x2]  }
0x4: {  	s2 =	rddreg [dreg:$0x3]  }
0x5: {  	s4 =	srdreg.scid;
	s9 =	rddreg [dreg:$0x6]  }
0x6: {  	s1 =	stileid.u32;
	s10 =	rddreg [dreg:$0x7]  }
0x7: {  	s14 =	simm.s32 $0x1;
	s15 =	simm.s32 $0x50;
	s16 =	simm.s32 $0x300  }
0x8: {  	s17 =	simm.s32 $0x2;
	s18 =	simm.s32 $0x380;
	s19 =	simm.s32 $0x5  }
0x9: {  	s20 =	simm.s32 $0x4;
	s21 =	simm.s32 $0x3;
	s22 =	simm.s32 $0x500  }
0xa: {  	s23 =	simm.s32 $0x700;
	s28 =	simm.s32 $0x880;
	s29 =	simm.s32 $0x400  }
0xb: {  	[dreg:$0x9] =	wrdreg s2;
	s7 =	sand.u32 $0x1, s4;
	s24 =	sshll.u32 s1, $0x1  }
0xc: {  	s30 =	simm.s32 $0x900;
	s2 =	rddreg [dreg:$0x4];
	s5 =	sor.u32 s7, s24  }
0xd: {  	s31 =	simm.s32 $0x950;
	s4 =	rddreg [dreg:$0x5];
	s8 =	smul.u32 $0xA0, s5  }
0xe: {  	s7 =	ssub.s32 $0x2, s7;
	s24 =	simm.s32 $0x800;
	p0 =	seq.s32 s5, $0x1F  }
0xf: {  	s5 =	simm.s32 $0x0;
	s13 =	sshrl.u32 s7, $0x1;
	s8 =	simm.s32 @p0 $0x12E8  }
0x10: {  	[smem:$0x7FF] =	sst s5;
	s25 =	ssub.s32 s7, s13;
	s8 =	sshrl.u32 s8, $0x3  }
0x11: {  	s13 =	simm.s32 $0xA00;
	_ =	strace $0x80000047;
	s11 =	sadd.s32 $0xA, s8  }
0x12: {  	s6 =	sadd.s32 s6, s8;
	s26 =	sadd.s32 s10, s8;
	s7 =	sadd.s32 s9, s8  }
0x13: {  	s10 =	simm.s32 $0x200;
	s12 =	sadd.s32 s3, s11;
	[dreg:$0xb] =	wrdreg s6  }
0x14: {  	s6 =	sadd.s32 s3, s8;
	[dreg:$0xc] =	wrdreg s26;
	s8 =	sadd.s32 s9, s11  }
0x15: {  	s9 =	smax.u32 s25, $0x1;
	s11 =	simm.s32 $0x280;
	s25 =	simm.s32 $0x580  }
0x16: {  	v0 =	vimm.s32 $0x0;
	s26 =	simm.s32 $0x780;
	s3 =	simm.s32 $0x6;
	[dreg:$0xa] =	wrdreg s12  }
.LBB2_1:
0x17: {  	[tilespmem:s10], [sflag:$0x1] =	stream.linear.gather [hbm4b:s6+s5], $0x50, $0x38;
	[tilespmem:$0xA80] =	vst v63  }
0x18: {  	s1 =	rddreg [dreg:$0xa]  }
0x19: {  	[tilespmem:s11], [sflag:$0x2] =	stream.linear.gather [hbm4b:s1+s5], $0x50, $0x38;
	[tilespmem:$0xA80] =	vst v63  }
0x1a: {  	s12 =	simm.s32 $0x100  }
0x1b: {  	[tilespmem:s12], [sflag:$0x3] =	stream.linear.gather [hbm4b:s6+s5], $0xA1, $0x38;
	[tilespmem:$0xA80] =	vst v63  }
0x1c: {  	s1 =	rddreg [dreg:$0xb]  }
0x1d: {  	[tilespmem:s5], [sflag:$0x4] =	stream.linear.gather [hbm4b:s1+s5], $0xA0, $0x38;
	[tilespmem:$0xA80] =	vst v63  }
0x1e: {  	s12 =	rddreg [dreg:$0x9]  }
0x1f: {  	[tilespmem:s13], [sflag:$0x5] =	stream.linear.gather [hbm4b:s12+s5], $0x1, $0x38;
	[tilespmem:$0xA80] =	vst v63  }
0x20: {  	_ =	swait.ge [sflag:s14], $0x50  }
0x21: {  	[sflag:s14] =	ssyncset.done $0x0  }
0x22: {  	[sflag:s14] =	ssyncadd.s32 $0xFFFFFFB0  }
0x23: {  	[tilespmem:s16], [sflag:$0x1] =	stream.indirect.gather [hbm4b:s0+s15], $0x1, s10, s15, $0xb8;
	[tilespmem:$0xA80] =	vst v63  }
0x24: {  	_ =	swait.ge [sflag:s17], $0x50  }
0x25: {  	[sflag:s17] =	ssyncset.done $0x0  }
0x26: {  	[sflag:s17] =	ssyncadd.s32 $0xFFFFFFB0  }
0x27: {  	[tilespmem:s18], [sflag:$0x2] =	stream.indirect.gather [hbm4b:s0+s15], $0x1, s11, s15, $0xb8;
	[tilespmem:$0xA80] =	vst v63  }
0x28: {  	_ =	swait.ge [sflag:s19], $0x1  }
0x29: {  	[sflag:s19] =	ssyncset.done $0x0  }
0x2a: {  	[sflag:s19] =	ssyncadd.s32 $0xFFFFFFFF  }
0x2b: {  	v1 =	vld.msk [tilespmem:$0xA00 ss:$0x0], $0xffff;
	_ =	swait.ge [sflag:s20], $0xA0  }
0x2c: {  	[sflag:s20] =	ssyncset.done $0x0  }
0x2d: {  	[sflag:s20] =	ssyncadd.s32 $0xFFFFFF60  }
0x2e: {  	v2 =	vld [tilespmem:$0x0];
	_ =	sdelay $0x4  }
0x2f: {  	v2 =	vsub.f32 $0.0e+00, v2;
	_ =	sdelay $0x1  }
0x30: {  	v2 =	vmul.f32 $1.442695020e+00, v2;
	_ =	sdelay $0x1  }
0x31: {  	(erf) = vpow2.f32 v2;
	_ =	sdelay $0x3  }
0x32: {  	v2 =	vld [tilespmem:$0x10];
	_ =	sdelay $0x4  }
0x33: {  	v2 =	vsub.f32 $0.0e+00, v2;
	v3 =	vpop (erf)  }
0x34: {  	v3 =	vadd.f32 v3, v1  }
0x35: {  	v2 =	vmul.f32 $1.442695020e+00, v2  }
0x36: {  	(erf) = vrcp.f32 v3  }
0x37: {  	(erf) = vpow2.f32 v2;
	_ =	sdelay $0x3  }
0x38: {  	v2 =	vld [tilespmem:$0x20];
	_ =	sdelay $0x3  }
0x39: {  	v3 =	vpop (erf)  }
0x3a: {  	v2 =	vsub.f32 $0.0e+00, v2;
	v4 =	vpop (erf)  }
0x3b: {  	v4 =	vadd.f32 v4, v1  }
0x3c: {  	v2 =	vmul.f32 $1.442695020e+00, v2  }
0x3d: {  	(erf) = vrcp.f32 v4  }
0x3e: {  	(erf) = vpow2.f32 v2;
	_ =	sdelay $0x3  }
0x3f: {  	v2 =	vld [tilespmem:$0x30];
	_ =	sdelay $0x3  }
0x40: {  	v4 =	vpop (erf)  }
0x41: {  	v2 =	vsub.f32 $0.0e+00, v2;
	v5 =	vpop (erf)  }
0x42: {  	v5 =	vadd.f32 v5, v1  }
0x43: {  	v2 =	vmul.f32 $1.442695020e+00, v2  }
0x44: {  	(erf) = vrcp.f32 v5  }
0x45: {  	(erf) = vpow2.f32 v2;
	_ =	sdelay $0x3  }
0x46: {  	v2 =	vld [tilespmem:$0x40];
	_ =	sdelay $0x3  }
0x47: {  	v5 =	vpop (erf)  }
0x48: {  	v2 =	vsub.f32 $0.0e+00, v2;
	v6 =	vpop (erf)  }
0x49: {  	v6 =	vadd.f32 v6, v1  }
0x4a: {  	v2 =	vmul.f32 $1.442695020e+00, v2  }
0x4b: {  	(erf) = vrcp.f32 v6  }
0x4c: {  	(erf) = vpow2.f32 v2;
	_ =	sdelay $0x3  }
0x4d: {  	v2 =	vld [tilespmem:$0x50];
	_ =	sdelay $0x3  }
0x4e: {  	v6 =	vpop (erf)  }
0x4f: {  	v2 =	vsub.f32 $0.0e+00, v2;
	v7 =	vpop (erf)  }
0x50: {  	v7 =	vadd.f32 v7, v1  }
0x51: {  	v2 =	vmul.f32 $1.442695020e+00, v2  }
0x52: {  	(erf) = vrcp.f32 v7  }
0x53: {  	(erf) = vpow2.f32 v2;
	_ =	sdelay $0x3  }
0x54: {  	v2 =	vld [tilespmem:$0x60];
	_ =	sdelay $0x3  }
0x55: {  	v7 =	vpop (erf)  }
0x56: {  	v2 =	vsub.f32 $0.0e+00, v2;
	v8 =	vpop (erf)  }
0x57: {  	v8 =	vadd.f32 v8, v1  }
0x58: {  	v2 =	vmul.f32 $1.442695020e+00, v2  }
0x59: {  	(erf) = vrcp.f32 v8  }
0x5a: {  	(erf) = vpow2.f32 v2;
	_ =	sdelay $0x3  }
0x5b: {  	v2 =	vld [tilespmem:$0x70];
	_ =	sdelay $0x3  }
0x5c: {  	v8 =	vpop (erf)  }
0x5d: {  	v2 =	vsub.f32 $0.0e+00, v2;
	v9 =	vpop (erf)  }
0x5e: {  	v9 =	vadd.f32 v9, v1  }
0x5f: {  	v2 =	vmul.f32 $1.442695020e+00, v2  }
0x60: {  	(erf) = vrcp.f32 v9  }
0x61: {  	(erf) = vpow2.f32 v2;
	_ =	sdelay $0x3  }
0x62: {  	v2 =	vld [tilespmem:$0x80];
	_ =	sdelay $0x3  }
0x63: {  	v9 =	vpop (erf)  }
0x64: {  	v2 =	vsub.f32 $0.0e+00, v2;
	v10 =	vpop (erf)  }
0x65: {  	v10 =	vadd.f32 v10, v1  }
0x66: {  	v2 =	vmul.f32 $1.442695020e+00, v2  }
0x67: {  	(erf) = vrcp.f32 v10  }
0x68: {  	(erf) = vpow2.f32 v2;
	_ =	sdelay $0x3  }
0x69: {  	v2 =	vld [tilespmem:$0x90];
	_ =	sdelay $0x3  }
0x6a: {  	v10 =	vpop (erf)  }
0x6b: {  	v2 =	vsub.f32 $0.0e+00, v2;
	v11 =	vpop (erf)  }
0x6c: {  	v3 =	vmul.f32 v3, v1;
	v11 =	vadd.f32 v11, v1  }
0x6d: {  	v4 =	vmul.f32 v4, v1;
	v2 =	vmul.f32 $1.442695020e+00, v2  }
0x6e: {  	v5 =	vmul.f32 v5, v1;
	(erf) = vrcp.f32 v11  }
0x6f: {  	v28 =	vmul.f32 $5.000000000e+03, v4;
	(erf) = vpow2.f32 v2  }
0x70: {  	v30 =	vmul.f32 $5.000000000e+03, v5  }
0x71: {  	v12 =	vmul.f32 $5.000000000e+03, v3;
	v29 =	vtrunc.f32 v28  }
0x72: {  	v14 =	vtrunc.f32 v30;
	v6 =	vmul.f32 v6, v1  }
0x73: {  	[tilespmem:$0x600] =	vst v3;
	v7 =	vmul.f32 v7, v1;
	v3 =	vmul.f32 v8, v1  }
0x74: {  	vm8 =	vgt.f32 v30, v14;
	v14 =	vcvt.f32.s32 v14;
	v32 =	vmul.f32 $5.000000000e+03, v6  }
0x75: {  	v34 =	vmul.f32 $5.000000000e+03, v7;
	v37 =	vmul.f32 $5.000000000e+03, v3  }
0x76: {  	v17 =	vtrunc.f32 v32;
	v9 =	vmul.f32 v9, v1  }
0x77: {  	vm7 =	vgt.f32 v28, v29;
	v36 =	vtrunc.f32 v34;
	v40 =	vtrunc.f32 v37;
	v33 =	vpop (erf)  }
0x78: {  	vm9 =	vgt.f32 v32, v17;
	v41 =	vmul.f32 $5.000000000e+03, v9;
	v42 =	vmul.f32 v10, v1;
	v15 =	vpop (erf)  }
0x79: {  	v38 =	vcvt.f32.s32 v36;
	v43 =	vcvt.f32.s32 v40;
	v15 =	vadd.f32 v15, v1  }
0x7a: {  	vm10 =	vgt.f32 v34, v36;
	v44 =	vtrunc.f32 v41;
	v10 =	vmul.f32 $5.000000000e+03, v42  }
0x7b: {  	vm11 =	vgt.f32 v37, v40;
	v2 =	vtrunc.f32 v12;
	(erf) = vrcp.f32 v15  }
0x7c: {  	[tilespmem:$0x610] =	vst v4;
	vm12 =	vgt.f32 v41, v44;
	v46 =	vcvt.f32.s32 v44;
	vm0 =	vgt.f32 v12, v2  }
0x7d: {  	[tilespmem:$0x620] =	vst v5;
	v48 =	vtrunc.f32 v10;
	v2 =	vcvt.f32.s32 v2;
	vm0 =	vmneg vm0  }
0x7e: {  	[tilespmem:$0x630] =	vst v6;
	v12 =	vcvt.f32.s32 v29;
	v13 =	vsel vm0, $0xFFFFFFFF, v0;
	vm0 =	vmneg vm7  }
0x7f: {  	[tilespmem:$0x640] =	vst v7;
	v2 =	vadd.s32 v2, v13;
	v31 =	vsel vm0, $0xFFFFFFFF, v0;
	vm0 =	vmneg vm8  }
0x80: {  	v16 =	vsel vm0, $0xFFFFFFFF, v0;
	vm0 =	vmneg vm9;
	[tilespmem:$0x400] =	vst v2;
	v2 =	vcvt.f32.s32 v17  }
0x81: {  	[tilespmem:$0x650] =	vst v3;
	vm13 =	vgt.f32 v10, v48;
	v35 =	vsel vm0, $0xFFFFFFFF, v0;
	vm0 =	vmneg vm10  }
0x82: {  	[tilespmem:$0x660] =	vst v9;
	v2 =	vadd.s32 v2, v35;
	v39 =	vsel vm0, $0xFFFFFFFF, v0;
	vm0 =	vmneg vm11  }
0x83: {  	v50 =	vcvt.f32.s32 v48;
	[tilespmem:$0x430] =	vst v2;
	v2 =	vsel vm0, $0xFFFFFFFF, v0;
	v45 =	vmul.f32 v33, v1  }
0x84: {  	[tilespmem:$0x670] =	vst v42;
	v12 =	vadd.s32 v12, v31;
	vm0 =	vmneg vm12;
	v2 =	vadd.s32 v43, v2;
	v49 =	vpop (erf)  }
0x85: {  	[tilespmem:$0x410] =	vst v12;
	v47 =	vsel vm0, $0xFFFFFFFF, v0;
	v3 =	vmul.f32 $5.000000000e+03, v45;
	v1 =	vmul.f32 v49, v1  }
0x86: {  	v14 =	vadd.s32 v14, v16;
	vm0 =	vmneg vm13;
	[tilespmem:$0x450] =	vst v2;
	v2 =	vadd.s32 v46, v47  }
0x87: {  	[tilespmem:$0x420] =	vst v14;
	v51 =	vsel vm0, $0xFFFFFFFF, v0;
	v52 =	vtrunc.f32 v3;
	v53 =	vmul.f32 $5.000000000e+03, v1  }
0x88: {  	v5 =	vadd.s32 v38, v39;
	[tilespmem:$0x460] =	vst v2;
	v2 =	vadd.s32 v50, v51;
	vm14 =	vgt.f32 v3, v52  }
0x89: {  	[tilespmem:$0x440] =	vst v5;
	v3 =	vcvt.f32.s32 v52;
	vm0 =	vmneg vm14;
	v54 =	vtrunc.f32 v53  }
0x8a: {  	[tilespmem:$0x470] =	vst v2;
	v2 =	vsel vm0, $0xFFFFFFFF, v0;
	vm15 =	vgt.f32 v53, v54  }
0x8b: {  	[tilespmem:$0x680] =	vst v45;
	v2 =	vadd.s32 v3, v2;
	v3 =	vcvt.f32.s32 v54;
	vm0 =	vmneg vm15  }
0x8c: {  	[tilespmem:$0x480] =	vst v2;
	v2 =	vsel vm0, $0xFFFFFFFF, v0  }
0x8d: {  	[tilespmem:$0x690] =	vst v1;
	v2 =	vadd.s32 v3, v2  }
0x8e: {  	[tilespmem:$0x490] =	vst v2  }
0x8f: {  	_ =	swait.ge [sflag:s21], $0xA1  }
0x90: {  	[sflag:s21] =	ssyncset.done $0x0  }
0x91: {  	[sflag:s21] =	ssyncadd.s32 $0xFFFFFF5F  }
0x92: {  	_ =	swait.ge [sflag:s14], $0x50  }
0x93: {  	[sflag:s14] =	ssyncset.done $0x0  }
0x94: {  	[sflag:s14] =	ssyncadd.s32 $0xFFFFFFB0  }
0x95: {  	v1 =	vld [tilespmem:$0x100]  }
0x96: {  	v2 =	vld [tilespmem:$0x101]  }
0x97: {  	v3 =	vld [tilespmem:$0x300]  }
0x98: {  	v55 =	vld [tilespmem:$0x400]  }
0x99: {  	v56 =	vld [tilespmem:$0x110]  }
0x9a: {  	v57 =	vld [tilespmem:$0x111]  }
0x9b: {  	v58 =	vld [tilespmem:$0x310]  }
0x9c: {  	v60 =	vld [tilespmem:$0x120]  }
0x9d: {  	v63 =	vld [tilespmem:$0x130]  }
0x9e: {  	v16 =	vld [tilespmem:$0x131]  }
0x9f: {  	vm4 =	vgt.s32 v2, v1;
	v1 =	vadd.s32 $0x1, v3;
	v2 =	vld [tilespmem:$0x121]  }
0xa0: {  	v3 =	vld [tilespmem:$0x320];
	vm5 =	vgt.s32 v57, v56;
	v62 =	vadd.s32 $0x1, v58;
	v1 =	vnsel vm4, $0x0, v1  }
0xa1: {  	v59 =	vld [tilespmem:$0x410];
	v61 =	vmul.u32 $0x1388, v1;
	vm1 =	vgt.s32 v1, $0x2A;
	v1 =	vnsel vm5, $0x0, v62  }
0xa2: {  	v19 =	vld [tilespmem:$0x330];
	v18 =	vmul.u32 $0x1388, v1  }
0xa3: {  	v21 =	vld [tilespmem:$0x141];
	vm0 =	vgt.s32 v1, $0x2A;
	v17 =	vsel vm1, $0x0, v61  }
0xa4: {  	vm9 =	vgt.s32 v16, v63;
	v1 =	vld [tilespmem:$0x140];
	v4 =	vadd.s32 v55, v17;
	v20 =	vsel vm0, $0x0, v18  }
0xa5: {  	vm7 =	vgt.s32 v2, v60;
	v2 =	vadd.s32 $0x1, v3;
	v3 =	vld [tilespmem:$0x340];
	vm6 =	vgt.s32 v4, $0x0  }
0xa6: {  	v23 =	vld [tilespmem:$0x420];
	v7 =	vadd.s32 v59, v20;
	v2 =	vnsel vm7, $0x0, v2;
	v22 =	vnsel vm6, $0x0, v4  }
0xa7: {  	vm8 =	vgt.s32 v7, $0x0;
	v25 =	vmul.u32 $0x1388, v2;
	vm0 =	vgt.s32 v2, $0x2A  }
0xa8: {  	v26 =	vld [tilespmem:$0x430];
	v2 =	vadd.s32 $0x1, v19;
	v8 =	vmin.u32 v22, $0x347D7;
	v24 =	vnsel vm8, $0x0, v7  }
0xa9: {  	v2 =	vnsel vm9, $0x0, v2;
	vm10 =	vgt.s32 v21, v1;
	v27 =	vmin.u32 v24, $0x347D7  }
0xaa: {  	[tilespmem:$0x400] =	vst v4;
	v28 =	vsel vm0, $0x0, v25;
	v29 =	vmul.u32 $0x1388, v2;
	v1 =	vadd.s32 $0x1, v3;
	v3 =	vld [tilespmem:$0x440]  }
0xab: {  	[tilespmem:$0x410] =	vst v7;
	vm1 =	vgt.s32 v2, $0x2A;
	v30 =	vadd.s32 v23, v28;
	v1 =	vnsel vm10, $0x0, v1  }
0xac: {  	[tilespmem:$0x500] =	vst v8;
	vm11 =	vgt.s32 v30, $0x0;
	v2 =	vsel vm1, $0x0, v29;
	v31 =	vmul.u32 $0x1388, v1  }
0xad: {  	[tilespmem:$0x510] =	vst v27;
	v32 =	vnsel vm11, $0x0, v30;
	v2 =	vadd.s32 v26, v2;
	vm12 =	vgt.s32 v1, $0x2A  }
0xae: {  	[tilespmem:$0x420] =	vst v30;
	v1 =	vmin.u32 v32, $0x347D7;
	vm13 =	vgt.s32 v2, $0x0;
	v4 =	vsel vm12, $0x0, v31  }
0xaf: {  	[tilespmem:$0x520] =	vst v1;
	v1 =	vnsel vm13, $0x0, v2;
	v3 =	vadd.s32 v3, v4  }
0xb0: {  	[tilespmem:$0x430] =	vst v2;
	v1 =	vmin.u32 v1, $0x347D7;
	vm14 =	vgt.s32 v3, $0x0  }
0xb1: {  	[tilespmem:$0x530] =	vst v1;
	v1 =	vnsel vm14, $0x0, v3  }
0xb2: {  	[tilespmem:$0x440] =	vst v3;
	v1 =	vmin.u32 v1, $0x347D7  }
0xb3: {  	[tilespmem:$0x540] =	vst v1  }
0xb4: {  	[tilespmem:s23], [sflag:$0x4] =	stream.indirect.gather [hbm4b:s4+s15], $0x1, s22, s15, $0xb8;
	[tilespmem:$0xA80] =	vst v63  }
0xb5: {  	_ = 	snop  }
0xb6: {  	[tilespmem:s24], [sflag:$0x5] =	stream.indirect.gather [hbm4b:s2+s15], $0x1, s22, s15, $0xb8;
	[tilespmem:$0xA80] =	vst v63  }
0xb7: {  	_ =	swait.ge [sflag:s17], $0x50  }
0xb8: {  	[sflag:s17] =	ssyncset.done $0x0  }
0xb9: {  	[sflag:s17] =	ssyncadd.s32 $0xFFFFFFB0  }
0xba: {  	v1 =	vld [tilespmem:$0x150]  }
0xbb: {  	v2 =	vld [tilespmem:$0x151]  }
0xbc: {  	v3 =	vld [tilespmem:$0x380]  }
0xbd: {  	v34 =	vld [tilespmem:$0x160]  }
0xbe: {  	v35 =	vld [tilespmem:$0x161]  }
0xbf: {  	v36 =	vld [tilespmem:$0x390]  }
0xc0: {  	v38 =	vld [tilespmem:$0x170]  }
0xc1: {  	v39 =	vld [tilespmem:$0x171]  }
0xc2: {  	v40 =	vld [tilespmem:$0x180]  }
0xc3: {  	v42 =	vld [tilespmem:$0x181]  }
0xc4: {  	v43 =	vld [tilespmem:$0x3B0];
	_ =	sdelay $0x2  }
0xc5: {  	v33 =	vld [tilespmem:$0x450];
	vm15 =	vgt.s32 v2, v1;
	v1 =	vadd.s32 $0x1, v3  }
0xc6: {  	v2 =	vld [tilespmem:$0x3A0];
	vm4 =	vgt.s32 v35, v34;
	v3 =	vadd.s32 $0x1, v36;
	vm7 =	vgt.s32 v39, v38  }
0xc7: {  	v37 =	vld [tilespmem:$0x460];
	vm11 =	vgt.s32 v42, v40;
	v50 =	vadd.s32 $0x1, v43;
	v1 =	vnsel vm15, $0x0, v1  }
0xc8: {  	v44 =	vld [tilespmem:$0x191];
	v3 =	vnsel vm4, $0x0, v3;
	v5 =	vnsel vm11, $0x0, v50;
	v41 =	vmul.u32 $0x1388, v1  }
0xc9: {  	vm5 =	vgt.s32 v1, $0x2A;
	v1 =	vmul.u32 $0x1388, v3;
	vm6 =	vgt.s32 v3, $0x2A;
	v3 =	vld [tilespmem:$0x190]  }
0xca: {  	v45 =	vld [tilespmem:$0x3C0];
	v54 =	vmul.u32 $0x1388, v5;
	vm13 =	vgt.s32 v5, $0x2A;
	v6 =	vsel vm5, $0x0, v41  }
0xcb: {  	v46 =	vld [tilespmem:$0x470];
	v1 =	vsel vm6, $0x0, v1;
	v2 =	vadd.s32 $0x1, v2;
	v4 =	vadd.s32 v33, v6  }
0xcc: {  	v1 =	vadd.s32 v37, v1;
	v2 =	vnsel vm7, $0x0, v2;
	vm8 =	vgt.s32 v4, $0x0  }
0xcd: {  	v51 =	vld [tilespmem:$0x480];
	vm9 =	vgt.s32 v1, $0x0;
	v47 =	vmul.u32 $0x1388, v2;
	v48 =	vnsel vm8, $0x0, v4  }
0xce: {  	v49 =	vnsel vm9, $0x0, v1;
	vm10 =	vgt.s32 v2, $0x2A;
	vm12 =	vgt.s32 v44, v3  }
0xcf: {  	v55 =	vld [tilespmem:$0x490];
	[tilespmem:$0x460] =	vst v1;
	v3 =	vadd.s32 $0x1, v45;
	v1 =	vsel vm13, $0x0, v54;
	v2 =	vsel vm10, $0x0, v47  }
0xd0: {  	[tilespmem:$0x450] =	vst v4;
	v52 =	vmin.u32 v48, $0x347D7;
	v3 =	vnsel vm12, $0x0, v3;
	v2 =	vadd.s32 v46, v2  }
0xd1: {  	v53 =	vmin.u32 v49, $0x347D7;
	[tilespmem:$0x580] =	vst v52;
	v56 =	vmul.u32 $0x1388, v3;
	vm14 =	vgt.s32 v2, $0x0  }
0xd2: {  	v1 =	vadd.s32 v51, v1;
	[tilespmem:$0x590] =	vst v53;
	vm15 =	vgt.s32 v3, $0x2A;
	v57 =	vnsel vm14, $0x0, v2  }
0xd3: {  	vm4 =	vgt.s32 v1, $0x0;
	[tilespmem:$0x470] =	vst v2;
	v3 =	vsel vm15, $0x0, v56;
	v2 =	vmin.u32 v57, $0x347D7  }
0xd4: {  	v3 =	vadd.s32 v55, v3;
	[tilespmem:$0x5A0] =	vst v2;
	v2 =	vnsel vm4, $0x0, v1  }
0xd5: {  	[tilespmem:$0x480] =	vst v1;
	vm5 =	vgt.s32 v3, $0x0;
	v1 =	vmin.u32 v2, $0x347D7  }
0xd6: {  	[tilespmem:$0x5B0] =	vst v1;
	v1 =	vnsel vm5, $0x0, v3  }
0xd7: {  	[tilespmem:$0x490] =	vst v3;
	v1 =	vmin.u32 v1, $0x347D7  }
0xd8: {  	[tilespmem:$0x5C0] =	vst v1  }
0xd9: {  	[tilespmem:s26], [sflag:$0x1] =	stream.indirect.gather [hbm4b:s4+s15], $0x1, s25, s15, $0xb8;
	[tilespmem:$0xA80] =	vst v63  }
0xda: {  	_ = 	snop  }
0xdb: {  	[tilespmem:s28], [sflag:$0x2] =	stream.indirect.gather [hbm4b:s2+s15], $0x1, s25, s15, $0xb8;
	[tilespmem:$0xA80] =	vst v63  }
0xdc: {  	s12 =	rddreg [dreg:$0xc]  }
0xdd: {  	[hbm4b:s12+s5] =	stream.linear.scatter [tilespmem:s29], [sflag:$0x3], $0xA0, $0x38;
	[tilespmem:$0xA80] =	vst v63  }
0xde: {  	_ =	swait.ge [sflag:s20], $0x50  }
0xdf: {  	[sflag:s20] =	ssyncset.done $0x0  }
0xe0: {  	[sflag:s20] =	ssyncadd.s32 $0xFFFFFFB0  }
0xe1: {  	_ =	swait.ge [sflag:s19], $0x50  }
0xe2: {  	[sflag:s19] =	ssyncset.done $0x0  }
0xe3: {  	[sflag:s19] =	ssyncadd.s32 $0xFFFFFFB0  }
0xe4: {  	v1 =	vld [tilespmem:$0x800]  }
0xe5: {  	v2 =	vld [tilespmem:$0x810]  }
0xe6: {  	v3 =	vld [tilespmem:$0x820]  }
0xe7: {  	v58 =	vld [tilespmem:$0x830]  }
0xe8: {  	v59 =	vld [tilespmem:$0x840]  }
0xe9: {  	(erf) = vrcp.f32 v1  }
0xea: {  	v60 =	vld [tilespmem:$0x700];
	(erf) = vrcp.f32 v2  }
0xeb: {  	v61 =	vld [tilespmem:$0x600];
	(erf) = vrcp.f32 v3  }
0xec: {  	v62 =	vld [tilespmem:$0x710];
	(erf) = vrcp.f32 v58  }
0xed: {  	v63 =	vld [tilespmem:$0x610];
	(erf) = vrcp.f32 v59  }
0xee: {  	v22 =	vld [tilespmem:$0x620]  }
0xef: {  	v28 =	vld [tilespmem:$0x630]  }
0xf0: {  	v21 =	vld [tilespmem:$0x720]  }
0xf1: {  	v23 =	vld [tilespmem:$0x730]  }
0xf2: {  	v26 =	vld [tilespmem:$0x740];
	v24 =	vmul.f32 $5.000000240e-04, v61;
	v30 =	vmul.f32 $5.000000240e-04, v63;
	v20 =	vpop (erf)  }
0xf3: {  	v29 =	vld [tilespmem:$0x640];
	v35 =	vmul.f32 $5.000000240e-04, v22;
	v6 =	vmul.f32 v20, v60;
	v25 =	vpop (erf)  }
0xf4: {  	v36 =	vmul.f32 $5.000000240e-04, v28;
	v8 =	vmul.f32 v25, v62;
	v27 =	vpop (erf)  }
0xf5: {  	vm6 =	vgt.f32 v1, $0.0e+00;
	v6 =	vmul.f32 $9.994999760e-01, v6;
	v11 =	vmul.f32 v27, v21;
	v31 =	vpop (erf)  }
0xf6: {  	vm7 =	vgt.f32 v2, $0.0e+00;
	v1 =	vmul.f32 $9.994999760e-01, v8;
	v33 =	vmul.f32 v31, v23;
	v34 =	vpop (erf)  }
0xf7: {  	v6 =	vadd.f32 v6, v24;
	v32 =	vmul.f32 $9.994999760e-01, v11;
	v12 =	vmul.f32 v34, v26  }
0xf8: {  	v38 =	vmul.f32 $5.000000240e-04, v29;
	v1 =	vadd.f32 v1, v30;
	v2 =	vmul.f32 $9.994999760e-01, v33  }
0xf9: {  	v6 =	vsel vm6, v6, v61;
	v7 =	vadd.f32 v32, v35;
	v37 =	vmul.f32 $9.994999760e-01, v12  }
0xfa: {  	vm8 =	vgt.f32 v3, $0.0e+00;
	[tilespmem:$0x900] =	vst v6;
	v1 =	vsel vm7, v1, v63;
	v2 =	vadd.f32 v2, v36  }
0xfb: {  	vm9 =	vgt.f32 v58, $0.0e+00;
	[tilespmem:$0x910] =	vst v1;
	v1 =	vsel vm8, v7, v22;
	v3 =	vadd.f32 v37, v38  }
0xfc: {  	vm10 =	vgt.f32 v59, $0.0e+00;
	[tilespmem:$0x920] =	vst v1;
	v1 =	vsel vm9, v2, v28  }
0xfd: {  	[tilespmem:$0x930] =	vst v1;
	v1 =	vsel vm10, v3, v29  }
0xfe: {  	[tilespmem:$0x940] =	vst v1  }
0xff: {  	[hbm4b:s7+s5] =	stream.linear.scatter [tilespmem:s30], [sflag:$0x6], $0x50, $0x38;
	[tilespmem:$0xA80] =	vst v63  }
0x100: {  	_ =	swait.ge [sflag:s14], $0x50  }
0x101: {  	[sflag:s14] =	ssyncset.done $0x0  }
0x102: {  	[sflag:s14] =	ssyncadd.s32 $0xFFFFFFB0  }
0x103: {  	_ =	swait.ge [sflag:s17], $0x50  }
0x104: {  	[sflag:s17] =	ssyncset.done $0x0  }
0x105: {  	[sflag:s17] =	ssyncadd.s32 $0xFFFFFFB0  }
0x106: {  	v1 =	vld [tilespmem:$0x880]  }
0x107: {  	v2 =	vld [tilespmem:$0x890]  }
0x108: {  	v3 =	vld [tilespmem:$0x8A0]  }
0x109: {  	v39 =	vld [tilespmem:$0x8B0]  }
0x10a: {  	v40 =	vld [tilespmem:$0x8C0]  }
0x10b: {  	(erf) = vrcp.f32 v1  }
0x10c: {  	v41 =	vld [tilespmem:$0x780];
	(erf) = vrcp.f32 v2  }
0x10d: {  	v42 =	vld [tilespmem:$0x650];
	(erf) = vrcp.f32 v3  }
0x10e: {  	v43 =	vld [tilespmem:$0x790];
	(erf) = vrcp.f32 v39  }
0x10f: {  	v44 =	vld [tilespmem:$0x660];
	(erf) = vrcp.f32 v40  }
0x110: {  	v47 =	vld [tilespmem:$0x670]  }
0x111: {  	v53 =	vld [tilespmem:$0x680]  }
0x112: {  	v46 =	vld [tilespmem:$0x7A0]  }
0x113: {  	v48 =	vld [tilespmem:$0x7B0]  }
0x114: {  	v51 =	vld [tilespmem:$0x7C0];
	v50 =	vmul.f32 $5.000000240e-04, v42;
	v56 =	vmul.f32 $5.000000240e-04, v44;
	v45 =	vpop (erf)  }
0x115: {  	v54 =	vld [tilespmem:$0x690];
	v61 =	vmul.f32 $5.000000240e-04, v47;
	v6 =	vmul.f32 v45, v41;
	v49 =	vpop (erf)  }
0x116: {  	v62 =	vmul.f32 $5.000000240e-04, v53;
	v52 =	vpop (erf);
	v8 =	vmul.f32 v49, v43  }
0x117: {  	vm11 =	vgt.f32 v1, $0.0e+00;
	v6 =	vmul.f32 $9.994999760e-01, v6;
	v11 =	vmul.f32 v52, v46;
	v55 =	vpop (erf)  }
0x118: {  	vm12 =	vgt.f32 v2, $0.0e+00;
	v1 =	vmul.f32 $9.994999760e-01, v8;
	v58 =	vmul.f32 v55, v48;
	v59 =	vpop (erf)  }
0x119: {  	v6 =	vadd.f32 v6, v50;
	v57 =	vmul.f32 $9.994999760e-01, v11;
	v60 =	vmul.f32 v59, v51  }
0x11a: {  	v63 =	vmul.f32 $5.000000240e-04, v54;
	v1 =	vadd.f32 v1, v56;
	v2 =	vmul.f32 $9.994999760e-01, v58  }
0x11b: {  	v6 =	vsel vm11, v6, v42;
	v7 =	vadd.f32 v57, v61;
	v8 =	vmul.f32 $9.994999760e-01, v60  }
0x11c: {  	vm13 =	vgt.f32 v3, $0.0e+00;
	[tilespmem:$0x950] =	vst v6;
	v1 =	vsel vm12, v1, v44;
	v2 =	vadd.f32 v2, v62  }
0x11d: {  	vm14 =	vgt.f32 v39, $0.0e+00;
	[tilespmem:$0x960] =	vst v1;
	v1 =	vsel vm13, v7, v47;
	v3 =	vadd.f32 v8, v63  }
0x11e: {  	vm15 =	vgt.f32 v40, $0.0e+00;
	v2 =	vsel vm14, v2, v53;
	[tilespmem:$0x970] =	vst v1  }
0x11f: {  	[tilespmem:$0x980] =	vst v2;
	v1 =	vsel vm15, v3, v54  }
0x120: {  	[tilespmem:$0x990] =	vst v1  }
0x121: {  	[hbm4b:s8+s5] =	stream.linear.scatter [tilespmem:s31], [sflag:$0x4], $0x50, $0x38;
	[tilespmem:$0xA80] =	vst v63  }
0x122: {  	_ =	swait.ge [sflag:s21], $0xA0  }
0x123: {  	[sflag:s21] =	ssyncset.done $0x0  }
0x124: {  	[sflag:s21] =	ssyncadd.s32 $0xFFFFFF60  }
0x125: {  	p0 =	sne.s32 s9, $0x1;
	_ =	swait.ge [sflag:s3], $0x50  }
.Ltmp0:
0x126: {  	[sflag:s3] =	ssyncset.done $0x0;
	(pc) =	sbr.rel @p0 .LBB2_1-.Ltmp0, $4  }
0x127: {  	[sflag:s3] =	ssyncadd.s32 $0xFFFFFFB0  }
0x128: {  	_ =	swait.ge [sflag:s20], $0x50  }
0x129: {  	[sflag:s20] =	ssyncset.done $0x0  }
0x12a: {  	s9 =	sadd.s32 $0xFFFFFFFF, s9;
	[sflag:s20] =	ssyncadd.s32 $0xFFFFFFB0  }
0x12b: {  	_ =	sfence.sel $0x180000  }
0x12c: {  	[bflag:$0x0] =	sbarrier.arrive $0xFFFF  }
0x12d: {  	_ =	strace $0x90000047  }
0x12e: {  	s0 =	stileid.u32;
	[bflag:$0x2] =	sbarrier.arrive $0xFFFF  }
0x12f: {  	p0 =	sne.s32 s0, $0x0;
	s0 =	rddreg [dreg:$0x8]  }
0x130: {  	s0 =	sadd.s32 @!p0 $0x100000, s0  }
0x131: {  	[sflag:s0] =	ssyncadd.tile.s32 @!p0 $0x1;
	_ =	shalt  }
.Lfunc_end2:
_tile_overlayer_lowered:
.L_overlay_start_2:
0x132: {  	(tag) =	ssettag $0x2  }
0x133: {  	s0 =	rddreg [dreg:$0x0];
	s2 =	stileid.u32  }
0x134: {  	s1 =	rddreg [dreg:$0x1];
	p0 =	sne.s32 s2, $0x0  }
0x135: {  	s3 =	rddreg [dreg:$0x2];
	[bflag:$0x3] =	sbarrier.arrive $0xFFFF;
	s2 =	simm.s32 @!p0 $0x1C07  }
0x136: {  	[timem:s3], [sflag:s2] =	dma.local @!p0 [hbm:s0], s1  }
0x137: {  	s0 =	simm.s32 @!p0 $0x7  }
0x138: {  	_ =	swait.ge @!p0 [sflag:s0], s1  }
0x139: {  	s1 =	ssub.s32 @!p0 $0x0, s1;
	[sflag:s0] =	ssyncset.done @!p0 $0x0  }
0x13a: {  	[sflag:s0] =	ssyncadd.s32 @!p0 s1  }
0x13b: {  	[bflag:$0x3] =	sbarrier.arrive $0xFFFF  }
0x13c: {  	_ =	shalt  }

</sc_bundles>
